<compile_context>
chip_gen: v7x
topology: tpu7x:2x2x1
jax: 0.10.2.dev20260603
libtpu: 0.0.44.dev20260713+nightly
codegen_flags: <defaults>
</compile_context>

<pallas_src>
import functools

import jax
import jax.numpy as jnp
from jax.experimental import pallas as pl
from jax.experimental.pallas import tpu as pltpu

_RADIUS = 0.035
_BQ = 128
_BS = 128
_H = 32


def _prep_body(xs_ref, w1_ref, b1_ref, a_ref, b_ref):
    xs_i = xs_ref[...]
    w1 = w1_ref[...]
    a_ref[...] = jnp.dot(xs_i, w1[0:2, :], preferred_element_type=jnp.float32)
    b_ref[...] = (jnp.dot(xs_i, w1[2:4, :], preferred_element_type=jnp.float32)
                  + b1_ref[...])


def _main_body(xs_ref, a_ref, bp_ref, xp_ref, yp_ref, fp_ref,
               tmin_ref, tmax_ref, w2blk_ref, b2row_ref, w3blk_ref, b3_ref,
               out_ref):
    xs_i = xs_ref[...]
    a_i = a_ref[...]
    xmin = xs_ref[0, 0]
    xmax = xs_ref[_BQ - 1, 0]

    lo = jnp.sum((tmax_ref[...] < xmin - _RADIUS).astype(jnp.int32))
    hi = jnp.sum((tmin_ref[...] <= xmax + _RADIUS).astype(jnp.int32))

    xi3 = xs_i[:, 0:1].reshape(_BQ, 1, 1)
    yi3 = xs_i[:, 1:2].reshape(_BQ, 1, 1)

    ap4 = jnp.concatenate([a_i, a_i, a_i, a_i], axis=1)
    a_part = jnp.broadcast_to(ap4[:, None, :], (_BQ, _H, 128))
    a_part = a_part.reshape(_BQ * _H, 128)

    w2blk = w2blk_ref[...]
    b2row = b2row_ref[...]
    w3blk = w3blk_ref[...]
    b3 = b3_ref[0, 0]

    def body(jt, carry):
        acc, deg = carry
        jr = jt * _H
        xj3 = xp_ref[pl.ds(jr, _H), :].reshape(1, _H, 4)
        yj3 = yp_ref[pl.ds(jr, _H), :].reshape(1, _H, 4)
        fj3 = fp_ref[pl.ds(jr, _H), :].reshape(1, _H, 4)
        xd = xi3 - xj3
        yd = yi3 - yj3
        mask3 = (xd * xd + yd * yd) <= _RADIUS * _RADIUS

        bp_j = bp_ref[pl.ds(jr, _H), :]
        b_part = jnp.broadcast_to(bp_j[None, :, :], (_BQ, _H, 128))
        b_part = b_part.reshape(_BQ * _H, 128)

        h1 = jax.nn.gelu(a_part + b_part)
        h2 = jax.nn.gelu(
            jnp.dot(h1, w2blk, preferred_element_type=jnp.float32) + b2row)
        k4 = jnp.dot(h2, w3blk, preferred_element_type=jnp.float32) + b3
        k3 = k4.reshape(_BQ, _H, 4)

        contrib = jnp.where(mask3, k3 * fj3, 0.0)
        m = jnp.where(mask3, 1.0, 0.0)
        acc = acc + jnp.sum(contrib, axis=1)
        deg = deg + jnp.sum(m, axis=1)
        return acc, deg

    acc0 = jnp.zeros((_BQ, 4), jnp.float32)
    acc, deg = jax.lax.fori_loop(lo, hi, body, (acc0, acc0))
    accs = jnp.sum(acc, axis=1, keepdims=True)
    degs = jnp.sum(deg, axis=1, keepdims=True)
    out_ref[...] = accs / jnp.maximum(degs, 1.0)


def kernel(coords, samples, sigma, W1, b1, W2, b2, W3, b3):
    del sigma
    n = coords.shape[1]
    nb = -(-n // _BQ)
    n_pad = nb * _BQ
    ntp = -(-nb // 128) * 128

    xall = coords[0, :]
    perm = jnp.argsort(xall)
    xs = coords.T[perm]
    fs = samples[perm]
    pad = n_pad - n
    xs = jnp.concatenate(
        [xs, jnp.full((pad, 2), 2.0, jnp.float32)], axis=0)
    fs = jnp.concatenate([fs, jnp.zeros((pad,), jnp.float32)])

    xsort = xs[:, 0]
    ysort = xs[:, 1]
    xp = xsort.reshape(n_pad // 4, 4)
    yp = ysort.reshape(n_pad // 4, 4)
    fp = fs.reshape(n_pad // 4, 4)
    tmin = jnp.full((ntp,), 3.0, jnp.float32).at[:nb].set(xsort[::_BQ])
    tmax = jnp.full((ntp,), 3.0, jnp.float32).at[:nb].set(
        xsort[_BQ - 1::_BQ])

    a_all, b_all = pl.pallas_call(
        _prep_body,
        grid=(nb,),
        in_specs=[
            pl.BlockSpec((_BQ, 2), lambda i: (i, 0)),
            pl.BlockSpec((4, _H), lambda i: (0, 0)),
            pl.BlockSpec((1, _H), lambda i: (0, 0)),
        ],
        out_specs=[
            pl.BlockSpec((_BQ, _H), lambda i: (i, 0)),
            pl.BlockSpec((_BQ, _H), lambda i: (i, 0)),
        ],
        out_shape=[
            jax.ShapeDtypeStruct((n_pad, _H), jnp.float32),
            jax.ShapeDtypeStruct((n_pad, _H), jnp.float32),
        ],
    )(xs, W1, b1[None, :])

    bp = b_all.reshape(n_pad // 4, 128)
    eye4 = jnp.eye(4, dtype=jnp.float32)
    w2blk = jnp.kron(eye4, W2)
    b2row = jnp.tile(b2, (4,))[None, :]
    w3blk = jnp.kron(eye4, W3)
    b3s = b3.reshape(1, 1)

    full = lambda i: (0, 0)
    out = pl.pallas_call(
        _main_body,
        grid=(nb,),
        in_specs=[
            pl.BlockSpec((_BQ, 2), lambda i: (i, 0)),
            pl.BlockSpec((_BQ, _H), lambda i: (i, 0)),
            pl.BlockSpec((n_pad // 4, 128), full),
            pl.BlockSpec((n_pad // 4, 4), full),
            pl.BlockSpec((n_pad // 4, 4), full),
            pl.BlockSpec((n_pad // 4, 4), full),
            pl.BlockSpec((1, ntp), full),
            pl.BlockSpec((1, ntp), full),
            pl.BlockSpec((128, 128), full),
            pl.BlockSpec((1, 128), full),
            pl.BlockSpec((128, 4), full),
            pl.BlockSpec((1, 1), full),
        ],
        out_specs=pl.BlockSpec((_BQ, 1), lambda i: (i, 0)),
        out_shape=jax.ShapeDtypeStruct((n_pad, 1), jnp.float32),
        compiler_params=pltpu.CompilerParams(
            dimension_semantics=("parallel",)),
    )(xs, a_all, bp, xp, yp, fp, tmin[None, :], tmax[None, :],
      w2blk, b2row, w3blk, b3s)

    out_sorted = out[:n, 0]
    return jnp.zeros((n,), jnp.float32).at[perm].set(out_sorted)

# --- scband reference (transcript-rebuilt; emitter-appended) ---
"""Pipeline reference for scband-multi-pole-score-net-18382460027271 (READ-ONLY COPY).

The authoritative reference and input builder live on the scoring server;
editing this copy changes nothing except your own understanding.
"""

import jax, jax.numpy as jnp
import numpy as np

NUM_COORDS = 2
RADIUS = 0.035
N = 10000
HIDDEN = 32


def _radius_neighbors(pos_np, radius):
    # chunked dense radius search (mimics torch_cluster / neuraloperator native neighbor search)
    n = pos_np.shape[0]
    r2 = radius * radius
    rows, cols = [], []
    chunk = 2048
    for s in range(0, n, chunk):
        d = pos_np[s:s + chunk, None, :] - pos_np[None, :, :]
        dist2 = (d * d).sum(-1)
        rr, cc = np.nonzero(dist2 <= r2)
        rows.append(rr.astype(np.int64) + s)
        cols.append(cc.astype(np.int64))
    return np.concatenate(rows), np.concatenate(cols)


def setup_inputs(seed: int = 0) -> dict:
    key = jax.random.key(seed)
    ks = jax.random.split(key, 8)
    coords = jax.random.uniform(ks[0], (NUM_COORDS, N), dtype=jnp.float32)
    samples = jax.random.normal(ks[1], (N,), dtype=jnp.float32)
    sigma = jax.random.uniform(ks[2], (1,), dtype=jnp.float32)
    din = 2 * NUM_COORDS
    W1 = (jax.random.normal(ks[3], (din, HIDDEN), dtype=jnp.float32) / np.sqrt(din))
    b1 = jnp.zeros((HIDDEN,), dtype=jnp.float32)
    W2 = (jax.random.normal(ks[4], (HIDDEN, HIDDEN), dtype=jnp.float32) / np.sqrt(HIDDEN))
    b2 = jnp.zeros((HIDDEN,), dtype=jnp.float32)
    W3 = (jax.random.normal(ks[5], (HIDDEN, 1), dtype=jnp.float32) / np.sqrt(HIDDEN))
    b3 = jnp.zeros((1,), dtype=jnp.float32)
    return {"coords": coords, "samples": samples, "sigma": sigma,
            "W1": W1, "b1": b1, "W2": W2, "b2": b2, "W3": W3, "b3": b3}


def reference(coords, samples, sigma, W1, b1, W2, b2, W3, b3):
    # GNOBlock with in_channels=out_channels=1, 'linear' transform:
    # out(x_i) = mean_{j : |y_j - x_i| <= r} k_mlp(concat(x_i, y_j)) * f_y(y_j)
    x = coords.T  # [N, num_coords] query points
    y = x         # source points (same cloud)
    f_y = samples[:, None]  # [N, 1]
    n = x.shape[0]
    d = x.shape[1]
    r2 = RADIUS * RADIUS
    chunk = 100
    f_tiled = jnp.tile(f_y, (chunk, 1))  # f_y[j] for cols = tile(arange(n), chunk), [chunk*n, 1]
    rows_local = jnp.repeat(jnp.arange(chunk), n)

    def _chunk_agg(x_chunk):
        diff = x_chunk[:, None, :] - y[None, :, :]
        dist2 = (diff * diff).sum(-1)
        mask = (dist2 <= r2).reshape(chunk * n, 1)
        xi = jnp.broadcast_to(x_chunk[:, None, :], (chunk, n, d))
        yj = jnp.broadcast_to(y[None, :, :], (chunk, n, d))
        feat = jnp.concatenate([xi, yj], axis=-1).reshape(chunk * n, 2 * d)  # [chunk*n, 2*d]
        h = jax.nn.gelu(feat @ W1 + b1)
        h = jax.nn.gelu(h @ W2 + b2)
        k = h @ W3 + b3  # [chunk*n, 1]
        msg = jnp.where(mask, k * f_tiled, jnp.zeros((), dtype=k.dtype))
        agg_c = jax.ops.segment_sum(msg, rows_local, num_segments=chunk)
        ones_m = jnp.where(mask, jnp.ones((), dtype=msg.dtype), jnp.zeros((), dtype=msg.dtype))
        deg_c = jax.ops.segment_sum(ones_m, rows_local, num_segments=chunk)
        return agg_c, deg_c

    agg_chunks, deg_chunks = jax.lax.map(_chunk_agg, x.reshape(n // chunk, chunk, d))
    agg = agg_chunks.reshape(n, 1)
    deg = deg_chunks.reshape(n, 1)
    out = agg / jnp.maximum(deg, 1.0)  # mean aggregation over the ball
    return out.squeeze(-1)  # [N]

if __name__ == "__main__":
    import jax
    _d = setup_inputs()
    print(jax.jit(kernel)(*tuple(_d.values())))

</pallas_src>

<mosaic_0001>
module attributes {stable_mosaic.version = 14 : i64} {
  func.func @_prep_body(%arg0: i32, %arg1: memref<128x2xf32, #tpu.memory_space<vmem>>, %arg2: memref<4x32xf32, #tpu.memory_space<vmem>>, %arg3: memref<1x32xf32, #tpu.memory_space<vmem>>, %arg4: memref<128x32xf32, #tpu.memory_space<vmem>>, %arg5: memref<128x32xf32, #tpu.memory_space<vmem>>) attributes {dimension_semantics = [#tpu.dimension_semantics<arbitrary>], iteration_bounds = array<i64: 79>, scalar_prefetch = 0 : i64, scratch_operands = 0 : i64, tpu.core_type = #tpu.core_type<tc>, window_params = [{transform_indices = @transform_0, window_bounds = array<i64: 128, 2>}, {pipeline_mode = #tpu.pipeline_mode<synchronous>, transform_indices = @transform_1, window_bounds = array<i64: 4, 32>}, {pipeline_mode = #tpu.pipeline_mode<synchronous>, transform_indices = @transform_2, window_bounds = array<i64: 1, 32>}, {transform_indices = @transform_3, window_bounds = array<i64: 128, 32>}, {transform_indices = @transform_4, window_bounds = array<i64: 128, 32>}]} {
    %get3A = arith.constant 0 : index
    %get3A_0 = arith.constant 0 : index
    %get3A_1 = vector.load %arg1[%get3A, %get3A_0] : memref<128x2xf32, #tpu.memory_space<vmem>>, vector<128x2xf32>
    %get3A_2 = arith.constant 0 : index
    %get3A_3 = arith.constant 0 : index
    %get3A_4 = vector.load %arg2[%get3A_2, %get3A_3] : memref<4x32xf32, #tpu.memory_space<vmem>>, vector<4x32xf32>
    %slice3A = vector.extract_strided_slice %get3A_4 {offsets = [0, 0], sizes = [2, 32], strides = [1, 1]} : vector<4x32xf32> to vector<2x32xf32>
    %dot_general3A = arith.constant dense<0.000000e+00> : vector<128x32xf32>
    %dot_general3A_5 = tpu.matmul %get3A_1, %slice3A, %dot_general3A {dimension_numbers = #tpu.dot_dimension_numbers<[1], [0], [0], [1], [0, 0, 1, 1], [], []>, transpose_lhs_hint = false} : vector<128x2xf32>, vector<2x32xf32>, vector<128x32xf32> -> vector<128x32xf32>
    %swap3A = arith.constant 0 : index
    %swap3A_6 = arith.constant 0 : index
    %swap3A_7 = vector.load %arg4[%swap3A, %swap3A_6] : memref<128x32xf32, #tpu.memory_space<vmem>>, vector<128x32xf32>
    tpu.vector_store %arg4[%swap3A, %swap3A_6], %dot_general3A_5 {strides = array<i32>} : memref<128x32xf32, #tpu.memory_space<vmem>>, vector<128x32xf32>,
    %slice3A_8 = vector.extract_strided_slice %get3A_4 {offsets = [2, 0], sizes = [2, 32], strides = [1, 1]} : vector<4x32xf32> to vector<2x32xf32>
    %dot_general3A_9 = arith.constant dense<0.000000e+00> : vector<128x32xf32>
    %dot_general3A_10 = tpu.matmul %get3A_1, %slice3A_8, %dot_general3A_9 {dimension_numbers = #tpu.dot_dimension_numbers<[1], [0], [0], [1], [0, 0, 1, 1], [], []>, transpose_lhs_hint = false} : vector<128x2xf32>, vector<2x32xf32>, vector<128x32xf32> -> vector<128x32xf32>
    %get3A_11 = arith.constant 0 : index
    %get3A_12 = arith.constant 0 : index
    %get3A_13 = vector.load %arg3[%get3A_11, %get3A_12] : memref<1x32xf32, #tpu.memory_space<vmem>>, vector<1x32xf32>
    %add3A = vector.broadcast %get3A_13 : vector<1x32xf32> to vector<128x32xf32>
    %add3A_14 = arith.addf %dot_general3A_10, %add3A : vector<128x32xf32>
    %swap3A_15 = arith.constant 0 : index
    %swap3A_16 = arith.constant 0 : index
    %swap3A_17 = vector.load %arg5[%swap3A_15, %swap3A_16] : memref<128x32xf32, #tpu.memory_space<vmem>>, vector<128x32xf32>
    tpu.vector_store %arg5[%swap3A_15, %swap3A_16], %add3A_14 {strides = array<i32>} : memref<128x32xf32, #tpu.memory_space<vmem>>, vector<128x32xf32>,
    return
  }
  func.func @transform_0(%arg0: i32) -> (i32, i32) {
    %c0_i32 = arith.constant 0 : i32
    %c0_i32_0 = arith.constant 0 : i32
    return %arg0, %c0_i32 : i32, i32
  }
  func.func @transform_1(%arg0: i32) -> (i32, i32) {
    %c0_i32 = arith.constant 0 : i32
    %c0_i32_0 = arith.constant 0 : i32
    %c0_i32_1 = arith.constant 0 : i32
    return %c0_i32, %c0_i32_0 : i32, i32
  }
  func.func @transform_2(%arg0: i32) -> (i32, i32) {
    %c0_i32 = arith.constant 0 : i32
    %c0_i32_0 = arith.constant 0 : i32
    %c0_i32_1 = arith.constant 0 : i32
    return %c0_i32, %c0_i32_0 : i32, i32
  }
  func.func @transform_3(%arg0: i32) -> (i32, i32) {
    %c0_i32 = arith.constant 0 : i32
    %c0_i32_0 = arith.constant 0 : i32
    return %arg0, %c0_i32 : i32, i32
  }
  func.func @transform_4(%arg0: i32) -> (i32, i32) {
    %c0_i32 = arith.constant 0 : i32
    %c0_i32_0 = arith.constant 0 : i32
    return %arg0, %c0_i32 : i32, i32
  }
}

module attributes {stable_mosaic.version = 14 : i64} {
  func.func @_main_body(%arg0: i32, %arg1: memref<128x2xf32, #tpu.memory_space<vmem>>, %arg2: memref<128x32xf32, #tpu.memory_space<vmem>>, %arg3: memref<2528x128xf32, #tpu.memory_space<vmem>>, %arg4: memref<2528x4xf32, #tpu.memory_space<vmem>>, %arg5: memref<2528x4xf32, #tpu.memory_space<vmem>>, %arg6: memref<2528x4xf32, #tpu.memory_space<vmem>>, %arg7: memref<1x128xf32, #tpu.memory_space<vmem>>, %arg8: memref<1x128xf32, #tpu.memory_space<vmem>>, %arg9: memref<128x128xf32, #tpu.memory_space<vmem>>, %arg10: memref<1x128xf32, #tpu.memory_space<vmem>>, %arg11: memref<128x4xf32, #tpu.memory_space<vmem>>, %arg12: memref<1x1xf32, #tpu.memory_space<vmem>>, %arg13: memref<128x1xf32, #tpu.memory_space<vmem>>) attributes {dimension_semantics = [#tpu.dimension_semantics<parallel>], iteration_bounds = array<i64: 79>, scalar_prefetch = 0 : i64, scratch_operands = 0 : i64, tpu.core_type = #tpu.core_type<tc>, window_params = [{transform_indices = @transform_0, window_bounds = array<i64: 128, 2>}, {transform_indices = @transform_1, window_bounds = array<i64: 128, 32>}, {pipeline_mode = #tpu.pipeline_mode<synchronous>, transform_indices = @transform_2, window_bounds = array<i64: 2528, 128>}, {pipeline_mode = #tpu.pipeline_mode<synchronous>, transform_indices = @transform_3, window_bounds = array<i64: 2528, 4>}, {pipeline_mode = #tpu.pipeline_mode<synchronous>, transform_indices = @transform_4, window_bounds = array<i64: 2528, 4>}, {pipeline_mode = #tpu.pipeline_mode<synchronous>, transform_indices = @transform_5, window_bounds = array<i64: 2528, 4>}, {pipeline_mode = #tpu.pipeline_mode<synchronous>, transform_indices = @transform_6, window_bounds = array<i64: 1, 128>}, {pipeline_mode = #tpu.pipeline_mode<synchronous>, transform_indices = @transform_7, window_bounds = array<i64: 1, 128>}, {pipeline_mode = #tpu.pipeline_mode<synchronous>, transform_indices = @transform_8, window_bounds = array<i64: 128, 128>}, {pipeline_mode = #tpu.pipeline_mode<synchronous>, transform_indices = @transform_9, window_bounds = array<i64: 1, 128>}, {pipeline_mode = #tpu.pipeline_mode<synchronous>, transform_indices = @transform_10, window_bounds = array<i64: 128, 4>}, {pipeline_mode = #tpu.pipeline_mode<synchronous>, transform_indices = @transform_11, window_bounds = array<i64: 1, 1>}, {transform_indices = @transform_12, window_bounds = array<i64: 128, 1>}]} {
    %get3A = arith.constant 0 : index
    %get3A_0 = arith.constant 0 : index
    %get3A_1 = vector.load %arg1[%get3A, %get3A_0] : memref<128x2xf32, #tpu.memory_space<vmem>>, vector<128x2xf32>
    %get3A_2 = arith.constant 0 : index
    %get3A_3 = arith.constant 0 : index
    %get3A_4 = vector.load %arg2[%get3A_2, %get3A_3] : memref<128x32xf32, #tpu.memory_space<vmem>>, vector<128x32xf32>
    %get3A_5 = arith.constant 0 : index
    %get3A_6 = arith.constant 0 : index
    %get3A_7 = vector.load %arg1[%get3A_5, %get3A_6] : memref<128x2xf32, #tpu.memory_space<vmem>>, vector<1x1xf32>
    %get3A_8 = vector.extract %get3A_7[0, 0] : f32 from vector<1x1xf32>
    %get3A_9 = arith.constant 127 : index
    %get3A_10 = arith.constant 0 : index
    %get3A_11 = vector.load %arg1[%get3A_9, %get3A_10] : memref<128x2xf32, #tpu.memory_space<vmem>>, vector<1x1xf32>
    %get3A_12 = vector.extract %get3A_11[0, 0] : f32 from vector<1x1xf32>
    %get3A_13 = arith.constant 0 : index
    %get3A_14 = arith.constant 0 : index
    %get3A_15 = vector.load %arg8[%get3A_13, %get3A_14] : memref<1x128xf32, #tpu.memory_space<vmem>>, vector<1x128xf32>
    %sub3A = arith.constant 3.500000e-02 : f32
    %sub3A_16 = arith.subf %get3A_8, %sub3A : f32
    %lt3A = vector.broadcast %sub3A_16 : f32 to vector<1x128xf32>
    %lt3A_17 = arith.cmpf olt, %get3A_15, %lt3A : vector<1x128xf32>
    %convert_element_type3A = arith.extui %lt3A_17 : vector<1x128xi1> to vector<1x128xi32>
    %reduce_sum3A = vector.shape_cast %convert_element_type3A : vector<1x128xi32> to vector<1x1x128xi32>
    %reduce_sum3A_18 = arith.constant dense<0> : vector<1xi32>
    %reduce_sum3A_19 = vector.multi_reduction <add>, %reduce_sum3A, %reduce_sum3A_18 [1, 2] : vector<1x1x128xi32> to vector<1xi32>
    %reduce_sum3A_20 = vector.shape_cast %reduce_sum3A_19 : vector<1xi32> to vector<1x1x1xi32>
    %reduce_sum3A_21 = vector.extract %reduce_sum3A_20[0, 0, 0] : i32 from vector<1x1x1xi32>
    %get3A_22 = arith.constant 0 : index
    %get3A_23 = arith.constant 0 : index
    %get3A_24 = vector.load %arg7[%get3A_22, %get3A_23] : memref<1x128xf32, #tpu.memory_space<vmem>>, vector<1x128xf32>
    %add3A = arith.constant 3.500000e-02 : f32
    %add3A_25 = arith.addf %get3A_12, %add3A : f32
    %le3A = vector.broadcast %add3A_25 : f32 to vector<1x128xf32>
    %le3A_26 = arith.cmpf ole, %get3A_24, %le3A : vector<1x128xf32>
    %convert_element_type3A_27 = arith.extui %le3A_26 : vector<1x128xi1> to vector<1x128xi32>
    %reduce_sum3A_28 = vector.shape_cast %convert_element_type3A_27 : vector<1x128xi32> to vector<1x1x128xi32>
    %reduce_sum3A_29 = arith.constant dense<0> : vector<1xi32>
    %reduce_sum3A_30 = vector.multi_reduction <add>, %reduce_sum3A_28, %reduce_sum3A_29 [1, 2] : vector<1x1x128xi32> to vector<1xi32>
    %reduce_sum3A_31 = vector.shape_cast %reduce_sum3A_30 : vector<1xi32> to vector<1x1x1xi32>
    %reduce_sum3A_32 = vector.extract %reduce_sum3A_31[0, 0, 0] : i32 from vector<1x1x1xi32>
    %slice3A = vector.extract_strided_slice %get3A_1 {offsets = [0, 0], sizes = [128, 1], strides = [1, 1]} : vector<128x2xf32> to vector<128x1xf32>
    %reshape3A = vector.shape_cast %slice3A : vector<128x1xf32> to vector<128x1x1xf32>
    %slice3A_33 = vector.extract_strided_slice %get3A_1 {offsets = [0, 1], sizes = [128, 1], strides = [1, 1]} : vector<128x2xf32> to vector<128x1xf32>
    %reshape3A_34 = vector.shape_cast %slice3A_33 : vector<128x1xf32> to vector<128x1x1xf32>
    %concatenate3A = tpu.concatenate %get3A_4, %get3A_4, %get3A_4, %get3A_4 in 1 : vector<128x32xf32>, vector<128x32xf32>, vector<128x32xf32>, vector<128x32xf32> -> vector<128x128xf32>
    %broadcast_in_dim3A = vector.shape_cast %concatenate3A : vector<128x128xf32> to vector<128x1x128xf32>
    %broadcast_in_dim3A_35 = vector.shape_cast %broadcast_in_dim3A : vector<128x1x128xf32> to vector<128x1x128xf32>
    %broadcast_in_dim3A_36 = vector.broadcast %broadcast_in_dim3A_35 : vector<128x1x128xf32> to vector<128x32x128xf32>
    %reshape3A_37 = vector.shape_cast %broadcast_in_dim3A_36 : vector<128x32x128xf32> to vector<4096x128xf32>
    %get3A_38 = arith.constant 0 : index
    %get3A_39 = arith.constant 0 : index
    %get3A_40 = vector.load %arg9[%get3A_38, %get3A_39] : memref<128x128xf32, #tpu.memory_space<vmem>>, vector<128x128xf32>
    %get3A_41 = arith.constant 0 : index
    %get3A_42 = arith.constant 0 : index
    %get3A_43 = vector.load %arg10[%get3A_41, %get3A_42] : memref<1x128xf32, #tpu.memory_space<vmem>>, vector<1x128xf32>
    %get3A_44 = arith.constant 0 : index
    %get3A_45 = arith.constant 0 : index
    %get3A_46 = vector.load %arg11[%get3A_44, %get3A_45] : memref<128x4xf32, #tpu.memory_space<vmem>>, vector<128x4xf32>
    %get3A_47 = arith.constant 0 : index
    %get3A_48 = arith.constant 0 : index
    %get3A_49 = vector.load %arg12[%get3A_47, %get3A_48] : memref<1x1xf32, #tpu.memory_space<vmem>>, vector<1x1xf32>
    %get3A_50 = vector.extract %get3A_49[0, 0] : f32 from vector<1x1xf32>
    %broadcast_in_dim3A_51 = arith.constant 0.000000e+00 : f32
    %broadcast_in_dim3A_52 = vector.broadcast %broadcast_in_dim3A_51 : f32 to vector<128x4xf32>
    %while3A = arith.subi %reduce_sum3A_32, %reduce_sum3A_21 : i32
    %while3A_53 = arith.addi %reduce_sum3A_21, %while3A : i32
    %while3A_54 = arith.constant 1 : i32
    %while3A_55 = arith.divsi %while3A, %while3A_54 : i32
    %while3A_56 = arith.muli %while3A_55, %while3A_54 : i32
    %while3A_57 = arith.addi %reduce_sum3A_21, %while3A_56 : i32
    %while3A_58 = arith.constant 1 : i32
    %while3A_59:2 = scf.for %while3A_72 = %reduce_sum3A_21 to %while3A_57 step %while3A_58 iter_args(%while3A_73 = %broadcast_in_dim3A_52, %while3A_74 = %broadcast_in_dim3A_52) -> (vector<128x4xf32>, vector<128x4xf32>)  : i32 {
      %mul3A = arith.constant 32 : i32
      %mul3A_75 = arith.muli %while3A_72, %mul3A : i32
      %get3A_76 = arith.index_cast %mul3A_75 : i32 to index
      %get3A_77 = arith.constant 0 : index
      %get3A_78 = vector.load %arg4[%get3A_76, %get3A_77] : memref<2528x4xf32, #tpu.memory_space<vmem>>, vector<32x4xf32>
      %reshape3A_79 = vector.shape_cast %get3A_78 : vector<32x4xf32> to vector<1x32x4xf32>
      %get3A_80 = arith.index_cast %mul3A_75 : i32 to index
      %get3A_81 = arith.constant 0 : index
      %get3A_82 = vector.load %arg5[%get3A_80, %get3A_81] : memref<2528x4xf32, #tpu.memory_space<vmem>>, vector<32x4xf32>
      %reshape3A_83 = vector.shape_cast %get3A_82 : vector<32x4xf32> to vector<1x32x4xf32>
      %get3A_84 = arith.index_cast %mul3A_75 : i32 to index
      %get3A_85 = arith.constant 0 : index
      %get3A_86 = vector.load %arg6[%get3A_84, %get3A_85] : memref<2528x4xf32, #tpu.memory_space<vmem>>, vector<32x4xf32>
      %reshape3A_87 = vector.shape_cast %get3A_86 : vector<32x4xf32> to vector<1x32x4xf32>
      %sub3A_88 = vector.broadcast %reshape3A : vector<128x1x1xf32> to vector<128x32x4xf32>
      %sub3A_89 = vector.broadcast %reshape3A_79 : vector<1x32x4xf32> to vector<128x32x4xf32>
      %sub3A_90 = arith.subf %sub3A_88, %sub3A_89 : vector<128x32x4xf32>
      %sub3A_91 = vector.broadcast %reshape3A_34 : vector<128x1x1xf32> to vector<128x32x4xf32>
      %sub3A_92 = vector.broadcast %reshape3A_83 : vector<1x32x4xf32> to vector<128x32x4xf32>
      %sub3A_93 = arith.subf %sub3A_91, %sub3A_92 : vector<128x32x4xf32>
      %mul3A_94 = arith.mulf %sub3A_90, %sub3A_90 : vector<128x32x4xf32>
      %mul3A_95 = arith.mulf %sub3A_93, %sub3A_93 : vector<128x32x4xf32>
      %add3A_96 = arith.addf %mul3A_94, %mul3A_95 : vector<128x32x4xf32>
      %le3A_97 = arith.constant 1.225000e-03 : f32
      %le3A_98 = vector.broadcast %le3A_97 : f32 to vector<128x32x4xf32>
      %le3A_99 = arith.cmpf ole, %add3A_96, %le3A_98 : vector<128x32x4xf32>
      %get3A_100 = arith.index_cast %mul3A_75 : i32 to index
      %get3A_101 = arith.constant 0 : index
      %get3A_102 = vector.load %arg3[%get3A_100, %get3A_101] : memref<2528x128xf32, #tpu.memory_space<vmem>>, vector<32x128xf32>
      %broadcast_in_dim3A_103 = vector.shape_cast %get3A_102 : vector<32x128xf32> to vector<1x32x128xf32>
      %broadcast_in_dim3A_104 = vector.shape_cast %broadcast_in_dim3A_103 : vector<1x32x128xf32> to vector<1x32x128xf32>
      %broadcast_in_dim3A_105 = vector.broadcast %broadcast_in_dim3A_104 : vector<1x32x128xf32> to vector<128x32x128xf32>
      %reshape3A_106 = vector.shape_cast %broadcast_in_dim3A_105 : vector<128x32x128xf32> to vector<4096x128xf32>
      %add3A_107 = arith.addf %reshape3A_37, %reshape3A_106 : vector<4096x128xf32>
      %integer_pow3A = arith.mulf %add3A_107, %add3A_107 : vector<4096x128xf32>
      %integer_pow3A_108 = arith.mulf %add3A_107, %integer_pow3A : vector<4096x128xf32>
      %mul3A_109 = arith.constant 4.471500e-02 : f32
      %mul3A_110 = vector.broadcast %mul3A_109 : f32 to vector<4096x128xf32>
      %mul3A_111 = arith.mulf %mul3A_110, %integer_pow3A_108 : vector<4096x128xf32>
      %add3A_112 = arith.addf %add3A_107, %mul3A_111 : vector<4096x128xf32>
      %mul3A_113 = arith.constant 0.797884583 : f32
      %mul3A_114 = vector.broadcast %mul3A_113 : f32 to vector<4096x128xf32>
      %mul3A_115 = arith.mulf %mul3A_114, %add3A_112 : vector<4096x128xf32>
      %tanh3A = math.tanh %mul3A_115 : vector<4096x128xf32>
      %add3A_116 = arith.constant 1.000000e+00 : f32
      %add3A_117 = vector.broadcast %add3A_116 : f32 to vector<4096x128xf32>
      %add3A_118 = arith.addf %add3A_117, %tanh3A : vector<4096x128xf32>
      %mul3A_119 = arith.constant 5.000000e-01 : f32
      %mul3A_120 = vector.broadcast %mul3A_119 : f32 to vector<4096x128xf32>
      %mul3A_121 = arith.mulf %mul3A_120, %add3A_118 : vector<4096x128xf32>
      %mul3A_122 = arith.mulf %add3A_107, %mul3A_121 : vector<4096x128xf32>
      %dot_general3A = arith.constant dense<0.000000e+00> : vector<4096x128xf32>
      %dot_general3A_123 = tpu.matmul %mul3A_122, %get3A_40, %dot_general3A {dimension_numbers = #tpu.dot_dimension_numbers<[1], [0], [0], [1], [0, 0, 1, 1], [], []>, transpose_lhs_hint = false} : vector<4096x128xf32>, vector<128x128xf32>, vector<4096x128xf32> -> vector<4096x128xf32>
      %add3A_124 = vector.broadcast %get3A_43 : vector<1x128xf32> to vector<4096x128xf32>
      %add3A_125 = arith.addf %dot_general3A_123, %add3A_124 : vector<4096x128xf32>
      %integer_pow3A_126 = arith.mulf %add3A_125, %add3A_125 : vector<4096x128xf32>
      %integer_pow3A_127 = arith.mulf %add3A_125, %integer_pow3A_126 : vector<4096x128xf32>
      %mul3A_128 = arith.constant 4.471500e-02 : f32
      %mul3A_129 = vector.broadcast %mul3A_128 : f32 to vector<4096x128xf32>
      %mul3A_130 = arith.mulf %mul3A_129, %integer_pow3A_127 : vector<4096x128xf32>
      %add3A_131 = arith.addf %add3A_125, %mul3A_130 : vector<4096x128xf32>
      %mul3A_132 = arith.constant 0.797884583 : f32
      %mul3A_133 = vector.broadcast %mul3A_132 : f32 to vector<4096x128xf32>
      %mul3A_134 = arith.mulf %mul3A_133, %add3A_131 : vector<4096x128xf32>
      %tanh3A_135 = math.tanh %mul3A_134 : vector<4096x128xf32>
      %add3A_136 = arith.constant 1.000000e+00 : f32
      %add3A_137 = vector.broadcast %add3A_136 : f32 to vector<4096x128xf32>
      %add3A_138 = arith.addf %add3A_137, %tanh3A_135 : vector<4096x128xf32>
      %mul3A_139 = arith.constant 5.000000e-01 : f32
      %mul3A_140 = vector.broadcast %mul3A_139 : f32 to vector<4096x128xf32>
      %mul3A_141 = arith.mulf %mul3A_140, %add3A_138 : vector<4096x128xf32>
      %mul3A_142 = arith.mulf %add3A_125, %mul3A_141 : vector<4096x128xf32>
      %dot_general3A_143 = arith.constant dense<0.000000e+00> : vector<4096x4xf32>
      %dot_general3A_144 = tpu.matmul %mul3A_142, %get3A_46, %dot_general3A_143 {dimension_numbers = #tpu.dot_dimension_numbers<[1], [0], [0], [1], [0, 0, 1, 1], [], []>, transpose_lhs_hint = false} : vector<4096x128xf32>, vector<128x4xf32>, vector<4096x4xf32> -> vector<4096x4xf32>
      %add3A_145 = vector.broadcast %get3A_50 : f32 to vector<4096x4xf32>
      %add3A_146 = arith.addf %dot_general3A_144, %add3A_145 : vector<4096x4xf32>
      %reshape3A_147 = vector.shape_cast %add3A_146 : vector<4096x4xf32> to vector<128x32x4xf32>
      %mul3A_148 = vector.broadcast %reshape3A_87 : vector<1x32x4xf32> to vector<128x32x4xf32>
      %mul3A_149 = arith.mulf %reshape3A_147, %mul3A_148 : vector<128x32x4xf32>
      %jit3A = arith.constant 0.000000e+00 : f32
      %broadcast_in_dim3A_150 = vector.broadcast %jit3A : f32 to vector<128x32x4xf32>
      %select_n3A = arith.select %le3A_99, %mul3A_149, %broadcast_in_dim3A_150 : vector<128x32x4xi1>, vector<128x32x4xf32>
      %jit3A_151 = arith.constant 1.000000e+00 : f32
      %jit3A_152 = arith.constant 0.000000e+00 : f32
      %broadcast_in_dim3A_153 = vector.broadcast %jit3A_151 : f32 to vector<128x32x4xf32>
      %broadcast_in_dim3A_154 = vector.broadcast %jit3A_152 : f32 to vector<128x32x4xf32>
      %select_n3A_155 = arith.select %le3A_99, %broadcast_in_dim3A_153, %broadcast_in_dim3A_154 : vector<128x32x4xi1>, vector<128x32x4xf32>
      %reduce_sum3A_156 = arith.constant dense<0.000000e+00> : vector<128x4xf32>
      %reduce_sum3A_157 = vector.multi_reduction <add>, %select_n3A, %reduce_sum3A_156 [1] : vector<128x32x4xf32> to vector<128x4xf32>
      %add3A_158 = arith.addf %while3A_73, %reduce_sum3A_157 : vector<128x4xf32>
      %reduce_sum3A_159 = arith.constant dense<0.000000e+00> : vector<128x4xf32>
      %reduce_sum3A_160 = vector.multi_reduction <add>, %select_n3A_155, %reduce_sum3A_159 [1] : vector<128x32x4xf32> to vector<128x4xf32>
      %add3A_161 = arith.addf %while3A_74, %reduce_sum3A_160 : vector<128x4xf32>
      scf.yield %add3A_158, %add3A_161 : vector<128x4xf32>, vector<128x4xf32>
    }
    %while3A_60 = arith.constant 1 : i32
    %while3A_61:2 = scf.for %while3A_72 = %while3A_57 to %while3A_53 step %while3A_60 iter_args(%while3A_73 = %while3A_59#0, %while3A_74 = %while3A_59#1) -> (vector<128x4xf32>, vector<128x4xf32>)  : i32 {
      %mul3A = arith.constant 32 : i32
      %mul3A_75 = arith.muli %while3A_72, %mul3A : i32
      %get3A_76 = arith.index_cast %mul3A_75 : i32 to index
      %get3A_77 = arith.constant 0 : index
      %get3A_78 = vector.load %arg4[%get3A_76, %get3A_77] : memref<2528x4xf32, #tpu.memory_space<vmem>>, vector<32x4xf32>
      %reshape3A_79 = vector.shape_cast %get3A_78 : vector<32x4xf32> to vector<1x32x4xf32>
      %get3A_80 = arith.index_cast %mul3A_75 : i32 to index
      %get3A_81 = arith.constant 0 : index
      %get3A_82 = vector.load %arg5[%get3A_80, %get3A_81] : memref<2528x4xf32, #tpu.memory_space<vmem>>, vector<32x4xf32>
      %reshape3A_83 = vector.shape_cast %get3A_82 : vector<32x4xf32> to vector<1x32x4xf32>
      %get3A_84 = arith.index_cast %mul3A_75 : i32 to index
      %get3A_85 = arith.constant 0 : index
      %get3A_86 = vector.load %arg6[%get3A_84, %get3A_85] : memref<2528x4xf32, #tpu.memory_space<vmem>>, vector<32x4xf32>
      %reshape3A_87 = vector.shape_cast %get3A_86 : vector<32x4xf32> to vector<1x32x4xf32>
      %sub3A_88 = vector.broadcast %reshape3A : vector<128x1x1xf32> to vector<128x32x4xf32>
      %sub3A_89 = vector.broadcast %reshape3A_79 : vector<1x32x4xf32> to vector<128x32x4xf32>
      %sub3A_90 = arith.subf %sub3A_88, %sub3A_89 : vector<128x32x4xf32>
      %sub3A_91 = vector.broadcast %reshape3A_34 : vector<128x1x1xf32> to vector<128x32x4xf32>
      %sub3A_92 = vector.broadcast %reshape3A_83 : vector<1x32x4xf32> to vector<128x32x4xf32>
      %sub3A_93 = arith.subf %sub3A_91, %sub3A_92 : vector<128x32x4xf32>
      %mul3A_94 = arith.mulf %sub3A_90, %sub3A_90 : vector<128x32x4xf32>
      %mul3A_95 = arith.mulf %sub3A_93, %sub3A_93 : vector<128x32x4xf32>
      %add3A_96 = arith.addf %mul3A_94, %mul3A_95 : vector<128x32x4xf32>
      %le3A_97 = arith.constant 1.225000e-03 : f32
      %le3A_98 = vector.broadcast %le3A_97 : f32 to vector<128x32x4xf32>
      %le3A_99 = arith.cmpf ole, %add3A_96, %le3A_98 : vector<128x32x4xf32>
      %get3A_100 = arith.index_cast %mul3A_75 : i32 to index
      %get3A_101 = arith.constant 0 : index
      %get3A_102 = vector.load %arg3[%get3A_100, %get3A_101] : memref<2528x128xf32, #tpu.memory_space<vmem>>, vector<32x128xf32>
      %broadcast_in_dim3A_103 = vector.shape_cast %get3A_102 : vector<32x128xf32> to vector<1x32x128xf32>
      %broadcast_in_dim3A_104 = vector.shape_cast %broadcast_in_dim3A_103 : vector<1x32x128xf32> to vector<1x32x128xf32>
      %broadcast_in_dim3A_105 = vector.broadcast %broadcast_in_dim3A_104 : vector<1x32x128xf32> to vector<128x32x128xf32>
      %reshape3A_106 = vector.shape_cast %broadcast_in_dim3A_105 : vector<128x32x128xf32> to vector<4096x128xf32>
      %add3A_107 = arith.addf %reshape3A_37, %reshape3A_106 : vector<4096x128xf32>
      %integer_pow3A = arith.mulf %add3A_107, %add3A_107 : vector<4096x128xf32>
      %integer_pow3A_108 = arith.mulf %add3A_107, %integer_pow3A : vector<4096x128xf32>
      %mul3A_109 = arith.constant 4.471500e-02 : f32
      %mul3A_110 = vector.broadcast %mul3A_109 : f32 to vector<4096x128xf32>
      %mul3A_111 = arith.mulf %mul3A_110, %integer_pow3A_108 : vector<4096x128xf32>
      %add3A_112 = arith.addf %add3A_107, %mul3A_111 : vector<4096x128xf32>
      %mul3A_113 = arith.constant 0.797884583 : f32
      %mul3A_114 = vector.broadcast %mul3A_113 : f32 to vector<4096x128xf32>
      %mul3A_115 = arith.mulf %mul3A_114, %add3A_112 : vector<4096x128xf32>
      %tanh3A = math.tanh %mul3A_115 : vector<4096x128xf32>
      %add3A_116 = arith.constant 1.000000e+00 : f32
      %add3A_117 = vector.broadcast %add3A_116 : f32 to vector<4096x128xf32>
      %add3A_118 = arith.addf %add3A_117, %tanh3A : vector<4096x128xf32>
      %mul3A_119 = arith.constant 5.000000e-01 : f32
      %mul3A_120 = vector.broadcast %mul3A_119 : f32 to vector<4096x128xf32>
      %mul3A_121 = arith.mulf %mul3A_120, %add3A_118 : vector<4096x128xf32>
      %mul3A_122 = arith.mulf %add3A_107, %mul3A_121 : vector<4096x128xf32>
      %dot_general3A = arith.constant dense<0.000000e+00> : vector<4096x128xf32>
      %dot_general3A_123 = tpu.matmul %mul3A_122, %get3A_40, %dot_general3A {dimension_numbers = #tpu.dot_dimension_numbers<[1], [0], [0], [1], [0, 0, 1, 1], [], []>, transpose_lhs_hint = false} : vector<4096x128xf32>, vector<128x128xf32>, vector<4096x128xf32> -> vector<4096x128xf32>
      %add3A_124 = vector.broadcast %get3A_43 : vector<1x128xf32> to vector<4096x128xf32>
      %add3A_125 = arith.addf %dot_general3A_123, %add3A_124 : vector<4096x128xf32>
      %integer_pow3A_126 = arith.mulf %add3A_125, %add3A_125 : vector<4096x128xf32>
      %integer_pow3A_127 = arith.mulf %add3A_125, %integer_pow3A_126 : vector<4096x128xf32>
      %mul3A_128 = arith.constant 4.471500e-02 : f32
      %mul3A_129 = vector.broadcast %mul3A_128 : f32 to vector<4096x128xf32>
      %mul3A_130 = arith.mulf %mul3A_129, %integer_pow3A_127 : vector<4096x128xf32>
      %add3A_131 = arith.addf %add3A_125, %mul3A_130 : vector<4096x128xf32>
      %mul3A_132 = arith.constant 0.797884583 : f32
      %mul3A_133 = vector.broadcast %mul3A_132 : f32 to vector<4096x128xf32>
      %mul3A_134 = arith.mulf %mul3A_133, %add3A_131 : vector<4096x128xf32>
      %tanh3A_135 = math.tanh %mul3A_134 : vector<4096x128xf32>
      %add3A_136 = arith.constant 1.000000e+00 : f32
      %add3A_137 = vector.broadcast %add3A_136 : f32 to vector<4096x128xf32>
      %add3A_138 = arith.addf %add3A_137, %tanh3A_135 : vector<4096x128xf32>
      %mul3A_139 = arith.constant 5.000000e-01 : f32
      %mul3A_140 = vector.broadcast %mul3A_139 : f32 to vector<4096x128xf32>
      %mul3A_141 = arith.mulf %mul3A_140, %add3A_138 : vector<4096x128xf32>
      %mul3A_142 = arith.mulf %add3A_125, %mul3A_141 : vector<4096x128xf32>
      %dot_general3A_143 = arith.constant dense<0.000000e+00> : vector<4096x4xf32>
      %dot_general3A_144 = tpu.matmul %mul3A_142, %get3A_46, %dot_general3A_143 {dimension_numbers = #tpu.dot_dimension_numbers<[1], [0], [0], [1], [0, 0, 1, 1], [], []>, transpose_lhs_hint = false} : vector<4096x128xf32>, vector<128x4xf32>, vector<4096x4xf32> -> vector<4096x4xf32>
      %add3A_145 = vector.broadcast %get3A_50 : f32 to vector<4096x4xf32>
      %add3A_146 = arith.addf %dot_general3A_144, %add3A_145 : vector<4096x4xf32>
      %reshape3A_147 = vector.shape_cast %add3A_146 : vector<4096x4xf32> to vector<128x32x4xf32>
      %mul3A_148 = vector.broadcast %reshape3A_87 : vector<1x32x4xf32> to vector<128x32x4xf32>
      %mul3A_149 = arith.mulf %reshape3A_147, %mul3A_148 : vector<128x32x4xf32>
      %jit3A = arith.constant 0.000000e+00 : f32
      %broadcast_in_dim3A_150 = vector.broadcast %jit3A : f32 to vector<128x32x4xf32>
      %select_n3A = arith.select %le3A_99, %mul3A_149, %broadcast_in_dim3A_150 : vector<128x32x4xi1>, vector<128x32x4xf32>
      %jit3A_151 = arith.constant 1.000000e+00 : f32
      %jit3A_152 = arith.constant 0.000000e+00 : f32
      %broadcast_in_dim3A_153 = vector.broadcast %jit3A_151 : f32 to vector<128x32x4xf32>
      %broadcast_in_dim3A_154 = vector.broadcast %jit3A_152 : f32 to vector<128x32x4xf32>
      %select_n3A_155 = arith.select %le3A_99, %broadcast_in_dim3A_153, %broadcast_in_dim3A_154 : vector<128x32x4xi1>, vector<128x32x4xf32>
      %reduce_sum3A_156 = arith.constant dense<0.000000e+00> : vector<128x4xf32>
      %reduce_sum3A_157 = vector.multi_reduction <add>, %select_n3A, %reduce_sum3A_156 [1] : vector<128x32x4xf32> to vector<128x4xf32>
      %add3A_158 = arith.addf %while3A_73, %reduce_sum3A_157 : vector<128x4xf32>
      %reduce_sum3A_159 = arith.constant dense<0.000000e+00> : vector<128x4xf32>
      %reduce_sum3A_160 = vector.multi_reduction <add>, %select_n3A_155, %reduce_sum3A_159 [1] : vector<128x32x4xf32> to vector<128x4xf32>
      %add3A_161 = arith.addf %while3A_74, %reduce_sum3A_160 : vector<128x4xf32>
      scf.yield %add3A_158, %add3A_161 : vector<128x4xf32>, vector<128x4xf32>
    }
    %reduce_sum3A_62 = arith.constant dense<0.000000e+00> : vector<128xf32>
    %reduce_sum3A_63 = vector.multi_reduction <add>, %while3A_61#0, %reduce_sum3A_62 [1] : vector<128x4xf32> to vector<128xf32>
    %broadcast_in_dim3A_64 = vector.shape_cast %reduce_sum3A_63 : vector<128xf32> to vector<128x1xf32>
    %reduce_sum3A_65 = arith.constant dense<0.000000e+00> : vector<128xf32>
    %reduce_sum3A_66 = vector.multi_reduction <add>, %while3A_61#1, %reduce_sum3A_65 [1] : vector<128x4xf32> to vector<128xf32>
    %broadcast_in_dim3A_67 = vector.shape_cast %reduce_sum3A_66 : vector<128xf32> to vector<128x1xf32>
    %max3A = arith.constant 1.000000e+00 : f32
    %max3A_68 = vector.broadcast %max3A : f32 to vector<128x1xf32>
    %max3A_69 = arith.maximumf %broadcast_in_dim3A_67, %max3A_68 : vector<128x1xf32>
    %div3A = arith.divf %broadcast_in_dim3A_64, %max3A_69 : vector<128x1xf32>
    %swap3A = arith.constant 0 : index
    %swap3A_70 = arith.constant 0 : index
    %swap3A_71 = vector.load %arg13[%swap3A, %swap3A_70] : memref<128x1xf32, #tpu.memory_space<vmem>>, vector<128x1xf32>
    tpu.vector_store %arg13[%swap3A, %swap3A_70], %div3A {strides = array<i32>} : memref<128x1xf32, #tpu.memory_space<vmem>>, vector<128x1xf32>,
    return
  }
  func.func @transform_0(%arg0: i32) -> (i32, i32) {
    %c0_i32 = arith.constant 0 : i32
    %c0_i32_0 = arith.constant 0 : i32
    return %arg0, %c0_i32 : i32, i32
  }
  func.func @transform_1(%arg0: i32) -> (i32, i32) {
    %c0_i32 = arith.constant 0 : i32
    %c0_i32_0 = arith.constant 0 : i32
    return %arg0, %c0_i32 : i32, i32
  }
  func.func @transform_2(%arg0: i32) -> (i32, i32) {
    %c0_i32 = arith.constant 0 : i32
    %c0_i32_0 = arith.constant 0 : i32
    %c0_i32_1 = arith.constant 0 : i32
    return %c0_i32, %c0_i32_0 : i32, i32
  }
  func.func @transform_3(%arg0: i32) -> (i32, i32) {
    %c0_i32 = arith.constant 0 : i32
    %c0_i32_0 = arith.constant 0 : i32
    %c0_i32_1 = arith.constant 0 : i32
    return %c0_i32, %c0_i32_0 : i32, i32
  }
  func.func @transform_4(%arg0: i32) -> (i32, i32) {
    %c0_i32 = arith.constant 0 : i32
    %c0_i32_0 = arith.constant 0 : i32
    %c0_i32_1 = arith.constant 0 : i32
    return %c0_i32, %c0_i32_0 : i32, i32
  }
  func.func @transform_5(%arg0: i32) -> (i32, i32) {
    %c0_i32 = arith.constant 0 : i32
    %c0_i32_0 = arith.constant 0 : i32
    %c0_i32_1 = arith.constant 0 : i32
    return %c0_i32, %c0_i32_0 : i32, i32
  }
  func.func @transform_6(%arg0: i32) -> (i32, i32) {
    %c0_i32 = arith.constant 0 : i32
    %c0_i32_0 = arith.constant 0 : i32
    %c0_i32_1 = arith.constant 0 : i32
    return %c0_i32, %c0_i32_0 : i32, i32
  }
  func.func @transform_7(%arg0: i32) -> (i32, i32) {
    %c0_i32 = arith.constant 0 : i32
    %c0_i32_0 = arith.constant 0 : i32
    %c0_i32_1 = arith.constant 0 : i32
    return %c0_i32, %c0_i32_0 : i32, i32
  }
  func.func @transform_8(%arg0: i32) -> (i32, i32) {
    %c0_i32 = arith.constant 0 : i32
    %c0_i32_0 = arith.constant 0 : i32
    %c0_i32_1 = arith.constant 0 : i32
    return %c0_i32, %c0_i32_0 : i32, i32
  }
  func.func @transform_9(%arg0: i32) -> (i32, i32) {
    %c0_i32 = arith.constant 0 : i32
    %c0_i32_0 = arith.constant 0 : i32
    %c0_i32_1 = arith.constant 0 : i32
    return %c0_i32, %c0_i32_0 : i32, i32
  }
  func.func @transform_10(%arg0: i32) -> (i32, i32) {
    %c0_i32 = arith.constant 0 : i32
    %c0_i32_0 = arith.constant 0 : i32
    %c0_i32_1 = arith.constant 0 : i32
    return %c0_i32, %c0_i32_0 : i32, i32
  }
  func.func @transform_11(%arg0: i32) -> (i32, i32) {
    %c0_i32 = arith.constant 0 : i32
    %c0_i32_0 = arith.constant 0 : i32
    %c0_i32_1 = arith.constant 0 : i32
    return %c0_i32, %c0_i32_0 : i32, i32
  }
  func.func @transform_12(%arg0: i32) -> (i32, i32) {
    %c0_i32 = arith.constant 0 : i32
    %c0_i32_0 = arith.constant 0 : i32
    return %arg0, %c0_i32 : i32, i32
  }
}

</mosaic_0001>

<sc_bundles>
// kernel: gather_offload_async_start.1
scs
__scs_entry_jumppad:
0x0: {  	(pc) =	sbr.rel $0x88, $3  }
0x1: {  	(tag) =	ssettag $0x0;
	lr =	simm.s32 $0x1  }
0x2: {  	[smem:$0x3F99] =	sst lr;
	_ =	strace $0xD0000000  }
0x3: {  	_ = 	snop  }
0x4: {  	_ = 	snop  }
0x5: {  	_ = 	snop  }
0x6: {  	_ = 	snop  }
0x7: {  	_ = 	snop  }
__scs_overlays_trampoline_lowered:
0x8: {  	[smem:$0x3FA8] =	sst s0  }
0x9: {  	[smem:$0x3FA9] =	sst s1  }
0xa: {  	[smem:$0x3FAA] =	sst s2  }
0xb: {  	[smem:$0x3FAB] =	sst s3  }
0xc: {  	[smem:$0x3FAC] =	sst s4  }
0xd: {  	[smem:$0x3FAD] =	sst s5  }
0xe: {  	[smem:$0x3FAE] =	sst s6  }
0xf: {  	[smem:$0x3FAF] =	sst s7  }
0x10: {  	[smem:$0x3FB0] =	sst s8  }
0x11: {  	[smem:$0x3FB1] =	sst s9;
	s0 =	simm.s32 @!p0 $0x0  }
0x12: {  	s1 =	sld [smem:$0x3F97];
	s0 =	simm.s32 @p0 $0x1  }
0x13: {  	[smem:$0x3FB2] =	sst s0;
	s0 =	simm.s32 @!p1 $0x0  }
0x14: {  	s2 =	sld [smem:$0x3F96];
	s0 =	simm.s32 @p1 $0x1  }
0x15: {  	[smem:$0x3FB3] =	sst s0;
	s0 =	simm.s32 @!p2 $0x0  }
0x16: {  	s3 =	sld [smem:$0x3FDB];
	s0 =	simm.s32 @p2 $0x1  }
0x17: {  	s4 =	simm.s32 $0x1BF5;
	[smem:$0x3FB5] =	sst s0  }
0x18: {  	s0 =	sld [smem:$0x3F98];
	_ =	swait.ge [sflag:s4], $0x0  }
0x19: {  	s7 =	sld [smem:$0x3F99]  }
0x1a: {  	s8 =	sadd.s32 $0xFFFFE003, lr  }
0x1b: {  	s9 =	sadd.s32 $0xFFFFFEF7, lr;
	s5 =	simm.s32 $0xFFFFFFFF;
	p2 =	slt.u32 s8, $0xFFFFF086  }
0x1c: {  	p1 =	slt.u32 s9, $0xF7A;
	s5 =	simm.s32 @!p2 $0x0  }
0x1d: {  	s5 =	simm.s32 @p1 $0x1;
	p0 =	seq.s32 s7, s2  }
0x1e: {  	s7 =	smul.u32 @!p0 $0xF7A, s2;
	p2 =	seq.s32 @!p0 s5, $0x0  }
0x1f: {  	s9 =	smul.u32 $0xF7A, s1;
	s8 =	simm.s32 @!p0 $0x1BF5;
	p2 =	por !p2, p0  }
0x20: {  	[sflag:s8] =	ssyncset.s32 @!p0 $0xFFFFF086;
	s6 =	sadd.s32 @!p0 s3, s7;
	s7 =	simm.s32 @!p0 $0x108  }
0x21: {  	s3 =	sadd.s32 s3, s9;
	s6 =	sadd.s32 @!p0 $0x88, s6;
	s7 =	simm.s32 @p2 $0x1082  }
0x22: {  	[simem:s7], [sflag:s8] =	dma.local @!p0 [hbm:s6], $0xF7A  }
0x23: {  	s9 =	sor.u32 $0xD0000000, s2;
	s6 =	simm.s32 $0x108;
	_ =	swait.ge @!p0 [sflag:s8], $0x0  }
0x24: {  	s3 =	sadd.s32 $0x88, s3;
	s6 =	simm.s32 @!p1 $0x1082;
	[sflag:s4] =	ssyncset.s32 $0xFFFFF086  }
0x25: {  	[simem:s6], [sflag:s4] =	dma.local [hbm:s3], $0xF7A  }
0x26: {  	[smem:$0x3F99] =	sst s1;
	(tag) =	ssettag s2;
	_ =	strace s9  }
0x27: {  	s1 =	sld [smem:$0x3FA9]  }
0x28: {  	s2 =	sld [smem:$0x3FAA]  }
0x29: {  	s4 =	sld [smem:$0x3FAC]  }
0x2a: {  	p0 =	seq.s32 s5, $0x0;
	s5 =	sld [smem:$0x3FAD]  }
0x2b: {  	s6 =	sld [smem:$0x3FAE]  }
0x2c: {  	s7 =	sld [smem:$0x3FAF]  }
0x2d: {  	s3 =	simm.s32 $0x108;
	s8 =	sld [smem:$0x3FB0]  }
0x2e: {  	s3 =	simm.s32 @!p0 $0x1082;
	s9 =	sld [smem:$0x3FB1]  }
0x2f: {  	lr =	sadd.s32 s0, s3;
	s0 =	sld [smem:$0x3FA8]  }
0x30: {  	s3 =	sld [smem:$0x3FAB]  }
0x31: {  	[smem:$0x3FB4] =	sst s10  }
0x32: {  	s10 =	sld [smem:$0x3FB2];
	_ =	sdelay $0x3  }
0x33: {  	p0 =	seq.s32 s10, $0x1;
	s10 =	sld [smem:$0x3FB4];
	_ =	sdelay $0x3  }
0x34: {  	[smem:$0x3FB4] =	sst s10  }
0x35: {  	s10 =	sld [smem:$0x3FB3];
	_ =	sdelay $0x3  }
0x36: {  	p1 =	seq.s32 s10, $0x1;
	s10 =	sld [smem:$0x3FB4];
	_ =	sdelay $0x3  }
0x37: {  	[smem:$0x3FB4] =	sst s10  }
0x38: {  	s10 =	sld [smem:$0x3FB5]  }
0x39: {  	_ = 	snop;
	(pc) =	sbr.ind lr, $3  }
0x3a: {  	_ = 	snop  }
0x3b: {  	_ = 	snop  }
0x3c: {  	p2 =	seq.s32 s10, $0x1;
	s10 =	sld [smem:$0x3FB4]  }
0x3d: {  	_ =	shalt  }
0x3e: {  	_ =	shalt  }
0x3f: {  	_ =	shalt  }
0x40: {  	_ =	shalt  }
0x41: {  	_ =	shalt  }
0x42: {  	_ =	shalt  }
0x43: {  	_ =	shalt  }
0x44: {  	_ =	shalt  }
0x45: {  	_ =	shalt  }
0x46: {  	_ =	shalt  }
0x47: {  	_ =	shalt  }
0x48: {  	_ =	shalt  }
0x49: {  	_ =	shalt  }
0x4a: {  	_ =	shalt  }
0x4b: {  	_ =	shalt  }
0x4c: {  	_ =	shalt  }
0x4d: {  	_ =	shalt  }
0x4e: {  	_ =	shalt  }
0x4f: {  	_ =	shalt  }
0x50: {  	_ =	shalt  }
0x51: {  	_ =	shalt  }
0x52: {  	_ =	shalt  }
0x53: {  	_ =	shalt  }
0x54: {  	_ =	shalt  }
0x55: {  	_ =	shalt  }
0x56: {  	_ =	shalt  }
0x57: {  	_ =	shalt  }
0x58: {  	_ =	shalt  }
0x59: {  	_ =	shalt  }
0x5a: {  	_ =	shalt  }
0x5b: {  	_ =	shalt  }
0x5c: {  	_ =	shalt  }
0x5d: {  	_ =	shalt  }
0x5e: {  	_ =	shalt  }
0x5f: {  	_ =	shalt  }
0x60: {  	_ =	shalt  }
0x61: {  	_ =	shalt  }
0x62: {  	_ =	shalt  }
0x63: {  	_ =	shalt  }
0x64: {  	_ =	shalt  }
0x65: {  	_ =	shalt  }
0x66: {  	_ =	shalt  }
0x67: {  	_ =	shalt  }
0x68: {  	_ =	shalt  }
0x69: {  	_ =	shalt  }
0x6a: {  	_ =	shalt  }
0x6b: {  	_ =	shalt  }
0x6c: {  	_ =	shalt  }
0x6d: {  	_ =	shalt  }
0x6e: {  	_ =	shalt  }
0x6f: {  	_ =	shalt  }
0x70: {  	_ =	shalt  }
0x71: {  	_ =	shalt  }
0x72: {  	_ =	shalt  }
0x73: {  	_ =	shalt  }
0x74: {  	_ =	shalt  }
0x75: {  	_ =	shalt  }
0x76: {  	_ =	shalt  }
0x77: {  	_ =	shalt  }
0x78: {  	_ =	shalt  }
0x79: {  	_ =	shalt  }
0x7a: {  	_ =	shalt  }
0x7b: {  	_ =	shalt  }
0x7c: {  	_ =	shalt  }
0x7d: {  	_ =	shalt  }
0x7e: {  	_ =	shalt  }
0x7f: {  	_ =	shalt  }
0x80: {  	_ =	shalt  }
0x81: {  	_ =	shalt  }
0x82: {  	_ =	shalt  }
0x83: {  	_ =	shalt  }
0x84: {  	_ =	shalt  }
0x85: {  	_ =	shalt  }
0x86: {  	_ =	shalt  }
0x87: {  	_ =	shalt  }
.Lfunc_end0:
.L_simem_size_0:
called_computation.1_lowered:
.L_overlay_start_0:
0x88: {  	s0 =	sld [smem:$0x3FD9]  }
0x89: {  	s1 =	sld [smem:$0x3FFE];
	_ =	sdelay $0x3  }
0x8a: {  	s0 =	sadd.s32 s1, s0  }
0x8b: {  	[smem:$0x3FC0] =	sst s0  }
0x8c: {  	_ = 	snop  }
0x8d: {  	s0 =	sld [smem:$0x3FC8]  }
0x8e: {  	s16 =	sld [smem:$0x3FD0];
	(tm) =	ssettm $0x1  }
0x8f: {  	s2 =	sld [smem:$0x3FFB];
	_ =	sdelay $0x3  }
0x90: {  	_ =	strace s2  }
0x91: {  	s2 =	sld [smem:$0x3FFC];
	_ =	sdelay $0x3  }
0x92: {  	_ =	strace s2  }
0x93: {  	s2 =	sld [smem:$0x3FFD];
	_ =	sdelay $0x3  }
0x94: {  	_ =	strace s2  }
0x95: {  	_ =	strace $0x8FFFFFFF  }
0x96: {  	s17 =	sld [smem:$0x3FDB];
	_ =	sdelay $0x1  }
0x97: {  	s3 =	simm.s32 $_scs_section_size  }
0x98: {  	s4 =	simm.s32 $_size__tile_overlayer_lowered;
	s5 =	simm.s32 $_tile_overlayer_lowered  }
0x99: {  	s20 =	simm.s32 $0x1BFF;
	s19 =	sshll.u32 s5, $0x1;
	s2 =	sadd.s32 s3, s17  }
0x9a: {  	s6 =	simm.s32 $0x0;
	s18 =	sshll.u32 s4, $0x1;
	s4 =	sadd.s32 s19, s2  }
0x9b: {  	[timem:s6], [sflag:s20] =	dma.local [hbm:s4], s18  }
0x9c: {  	_ =	swait.ge [sflag:s20], s18  }
0x9d: {  	s3 =	ssub.s32 $0x0, s18;
	[sflag:s20] =	ssyncset.done $0x0  }
0x9e: {  	[sflag:s20] =	ssyncadd.s32 s3;
	_ =	sdelay $0x1  }
0x9f: {  	s21 =	simm.s32 $0x1B8B  }
0xa0: {  	_ =	swait.ge [sflag:s21], $0x1  }
0xa1: {  	[sflag:s21] =	ssyncset.done $0x0  }
0xa2: {  	s23 =	simm.s32 $0x1B8E;
	s22 =	sld [smem:$0x3FFE];
	[sflag:s21] =	ssyncadd.s32 $0xFFFFFFFF  }
0xa3: {  	s24 =	simm.s32 $execute0_lowered;
	[smem:$0x3FD2] =	sst s23  }
0xa4: {  	s4 =	sshll.u32 s24, $0x1;
	_ =	strace $0x80000046;
	[dreg:$0x1] =	wrdreg $0xFFFFFFFF  }
0xa5: {  	s25 =	simm.s32 $_size_execute0_lowered;
	s2 =	sadd.s32 s2, s4;
	[dreg:$0x0] =	wrdreg $0x0  }
0xa6: {  	s4 =	sshll.u32 s25, $0x1;
	[dreg:$0x2] =	wrdreg s2  }
0xa7: {  	[dreg:$0x3] =	wrdreg s4  }
0xa8: {  	[dreg:$0x4] =	wrdreg $0xC0  }
0xa9: {  	_ =	task [dreg:s6], $0x5FFFF  }
0xaa: {  	[dreg:$0x1] =	wrdreg $0xFFFFFFFF  }
0xab: {  	[dreg:$0x0] =	wrdreg $0x60  }
0xac: {  	[dreg:$0x2] =	wrdreg s0  }
0xad: {  	[dreg:$0x3] =	wrdreg s16  }
0xae: {  	[dreg:$0x4] =	wrdreg s22  }
0xaf: {  	[dreg:$0x5] =	wrdreg $0xA  }
0xb0: {  	_ =	task.clear_ibuf [dreg:s6], $0x6FFFF;
	_ =	strace $0x90000046  }
0xb1: {  	s26 =	simm.s32 $0xA;
	_ =	strace $0x80000048  }
0xb2: {  	_ =	swait.ge [sflag:s26], $0x1  }
0xb3: {  	[sflag:s26] =	ssyncadd.s32 $0xFFFFFFFF  }
0xb4: {  	_ =	strace $0x90000048  }
0xb5: {  	_ =	sfence  }
0xb6: {  	s28 =	sld [smem:$0x0];
	_ =	sdelay $0x1  }
0xb7: {  	s29 =	srdreg.scid  }
0xb8: {  	s30 =	sshll.u32 s29, $0xD;
	s31 =	sshrl.u32 s29, $0x2  }
0xb9: {  	s1 =	sand.u32 $0x1, s29;
	s2 =	sand.u32 $0x4000, s30;
	s0 =	sadd.s32 s31, s28  }
0xba: {  	s1 =	sor.u32 s2, s1;
	s0 =	sshll.u32 s0, $0x11  }
0xbb: {  	s0 =	sor.u32 s0, s1  }
0xbc: {  	s0 =	sadd.s32 $0x8F2B, s0  }
0xbd: {  	[sflag:s0] =	ssyncadd.remote.s32 $0x1  }
0xbe: {  	_ =	sfence.sel $0xFFFF  }
0xbf: {  	[dreg:$0x0] =	wrdreg $0xFFFFFFFF;
	(pc) =	sbr.abs _section_cstart, $3  }
0xc0: {  	[dreg:$0x1] =	wrdreg $0xFFFFFFFF  }
0xc1: {  	_ =	task.clear_ibuf [dreg:s6], $0x2FFFF;
	_ =	strace $0x9FFFFFFF  }
0xc2: {  	(tm) =	ssettm $0x7FFFFFFF  }
0xc3: {  	_ =	shalt  }
tec
execute0_lowered:
.L_overlay_start_1:
0x0: {  	(tag) =	ssettag $0x1  }
0x1: {  	s2 =	rddreg [dreg:$0x0]  }
0x2: {  	s3 =	rddreg [dreg:$0x1]  }
0x3: {  	s8 =	rddreg [dreg:$0x2]  }
0x4: {  	s0 =	rddreg [dreg:$0x3];
	_ =	strace $0x80000047;
	s4 =	simm.s32 $0x1  }
0x5: {  	s1 =	stileid.u32;
	s7 =	simm.s32 $0x1;
	s9 =	simm.s32 $0x1  }
0x6: {  	s6 =	simm.s32 $0x2;
	s10 =	simm.s32 $0x3;
	s13 =	simm.s32 $0x0  }
.Ltmp0:
0x7: {  	s12 =	simm.s32 $0x0;
	p0 =	slt.u32 s1, $0xA;
	(pc) =	sbr.rel .LBB2_1-.Ltmp0, $4  }
0x8: {  	[sflag:s4] =	ssyncpa.u1 $0x0;
	s7 =	simm.s32 @!p0 $0x0;
	p0 =	sne.s32 s1, $0x9  }
0x9: {  	s5 =	smul.u32 $0x190, s1;
	[sflag:s6] =	ssyncpa.u1 $0x0;
	s9 =	simm.s32 @!p0 $0x0  }
0xa: {  	s8 =	sadd.s32 $0x27200, s8;
	[sflag:s10] =	ssyncpa.u1 $0x0;
	s7 =	sadd.s32 s9, s7  }
0xb: {  	vm0 =	vmmov $0xffff;
	s10 =	simm.s32 $0x0;
	s11 =	smov.u32 s5;
	s9 =	sadd.s32 $0x1, s7  }
.LBB2_4:
0xc: {  	v2 =	vnsel vm1, $0x0, v2  }
0xd: {  	vm1 =	vgt.s32 v0, $0x0;
	v2 =	vmin.u32 v2, $0x270F  }
0xe: {  	v0 =	vnsel vm1, $0x0, v0  }
0xf: {  	v0 =	vmin.u32 v0, $0x270F  }
0x10: {  	[tilespmem:s18], [sflag:$0x1] =	stream.indirect_vreg.gather [hbm4b:s2+s10], $0x1, v1, vm0, $0x4038;
	[tilespmem:$0x640] =	vst v63  }
0x11: {  	(ifvalue) =	ssetifvalue $0x7FFFFFFF  }
0x12: {  	[tilespmem:s15], [sflag:$0x1] =	stream.indirect_vreg.gather [hbm4b:s2+s10], $0x1, v2, vm0, $0x4038;
	[tilespmem:$0x640] =	vst v63  }
0x13: {  	s29 =	sadd.s32 $0x10, s15;
	(ifvalue) =	ssetifvalue $0x7FFFFFFF  }
0x14: {  	[tilespmem:s29], [sflag:$0x1] =	stream.indirect_vreg.gather [hbm4b:s2+s10], $0x1, v0, vm0, $0x4038;
	[tilespmem:$0x640] =	vst v63  }
0x15: {  	_ =	swait.ge [sflag:s4], $0x190  }
0x16: {  	s30 =	sshrl.u32 s13, $0x3;
	[sflag:s4] =	ssyncset.done $0x0  }
0x17: {  	s31 =	sand.u32 $0x7, s13;
	s15 =	sadd.s32 s8, s30;
	[sflag:s4] =	ssyncadd.s32 $0xFFFFFE70  }
0x18: {  	[hbm4b:s15+s31] =	stream.linear.scatter [tilespmem:s14], [sflag:$0x3], $0x190, $0x38;
	[tilespmem:$0x640] =	vst v63  }
.LBB2_5:
0x19: {  	s15 =	sadd.s32 $0x1900, s11  }
0x1a: {  	p1 =	sgt.s32 s15, $0x270F  }
0x1b: {  	s15 =	smov.u32 @p1 s5;
	p1 =	sne.s32 s12, s9  }
.Ltmp1:
0x1c: {  	p0 =	slt.u32 s12, $0x2;
	(pc) =	sbr.rel @!p1 .LBB2_6-.Ltmp1, $4  }
0x1d: {  	s14 =	simm.s32 @!p0 $0x3  }
0x1e: {  	_ =	swait.ge @!p0 [sflag:s14], $0x190  }
0x1f: {  	s16 =	sadd.s32 $0x1, s12;
	s13 =	smov.u32 s11;
	[sflag:s14] =	ssyncset.done @!p0 $0x0  }
0x20: {  	s12 =	smov.u32 s16;
	s11 =	smov.u32 s15;
	[sflag:s14] =	ssyncadd.s32 @!p0 $0xFFFFFE70  }
.LBB2_1:
0x21: {  	p0 =	sge.u32 s12, s7  }
0x22: {  	s14 =	sxor.u32 @!p0 $0x1, s12  }
0x23: {  	s14 =	smul.u32 @!p0 $0x640, s14  }
0x24: {  	s31 =	sadd.s32 $0xFFFFFFFF, s12;
	s15 =	sshrl.u32 @!p0 s11, $0x3  }
0x25: {  	s16 =	sand.u32 @!p0 $0x7, s11;
	s15 =	sadd.s32 @!p0 s3, s15;
	s14 =	sshra.s32 @!p0 s14, $0x2  }
0x26: {  	[tilespmem:s14], [sflag:$0x2] =	stream.linear.gather @!p0 [hbm4b:s15+s16], $0x190, $0x38;
	[tilespmem:$0x640] =	vst v63  }
0x27: {  	p0 =	sge.u32 s31, s7  }
.Ltmp2:
0x28: {  	_ = 	snop;
	(pc) =	sbr.rel @p0 .LBB2_5-.Ltmp2, $1  }
0x29: {  	_ =	sdelay $0x3  }
0x2a: {  	s14 =	sand.u32 $0x1, s12  }
0x2b: {  	_ =	swait.ge [sflag:s6], $0x190;
	p0 =	seq.s32 s14, $0x1;
	s14 =	simm.s32 $0x190  }
0x2c: {  	[sflag:s6] =	ssyncset.done $0x0;
	s14 =	simm.s32 @!p0 $0x0  }
0x2d: {  	[sflag:s6] =	ssyncadd.s32 $0xFFFFFE70;
	(ifvalue) =	ssetifvalue $0x7FFFFFFF;
	v0 =	vld.msk [tilespmem:s14+$0x0 ss:$0x1], $0xffff;
	_ =	sdelay $0x4  }
0x2e: {  	s15 =	sadd.s32 $0x10, s14;
	vm1 =	vgt.s32 v0, $0x0  }
0x2f: {  	v2 =	vld.msk [tilespmem:s15+$0x0 ss:$0x1], $0xffff;
	v1 =	vnsel vm1, $0x0, v0  }
0x30: {  	v1 =	vmin.u32 v1, $0x270F;
	_ =	sdelay $0x2  }
0x31: {  	s17 =	simm.s32 $0x20;
	s14 =	sadd.s32 $0x320, s14;
	s16 =	sadd.s32 $0x10, s15  }
0x32: {  	s15 =	sadd.s32 $0x10, s14;
	s18 =	smov.u32 s14;
	v0 =	vld.msk [tilespmem:s16+$0x0 ss:$0x1], $0xffff;
	vm1 =	vgt.s32 v2, $0x0;
	(ifvalue) =	ssetifvalue $0x7FFFFFFF  }
.LBB2_3:
0x33: {  	[tilespmem:s18], [sflag:$0x1] =	stream.indirect_vreg.gather [hbm4b:s2+s10], $0x1, v1, vm0, $0x4038;
	[tilespmem:$0x640] =	vst v63  }
0x34: {  	s17 =	sadd.s32 $0x10, s17  }
0x35: {  	v2 =	vnsel vm1, $0x0, v2;
	p0 =	slt.u32 s17, $0x180  }
.Ltmp3:
0x36: {  	s18 =	smov.u32 s15;
	v1 =	vmin.u32 v2, $0x270F;
	(pc) =	sbr.rel @p0 .LBB2_3-.Ltmp3, $3  }
0x37: {  	_ =	sdelay $0x1  }
0x38: {  	s16 =	sadd.s32 $0x10, s16  }
0x39: {  	vm1 =	vgt.s32 v0, $0x0;
	s15 =	sadd.s32 $0x10, s15;
	v2 =	vmov v0;
	(ifvalue) =	ssetifvalue $0x7FFFFFFF;
	v0 =	vld.msk [tilespmem:s16+$0x0 ss:$0x1], $0xffff  }
.Ltmp4:
0x3a: {  	_ = 	snop;
	(pc) =	sbr.rel .LBB2_4-.Ltmp4, $1  }
0x3b: {  	_ =	sdelay $0x3  }
.LBB2_6:
0x3c: {  	_ =	sfence.sel $0x180000  }
0x3d: {  	s2 =	simm.s32 $0x2;
	[bflag:$0x0] =	sbarrier.arrive $0xFFFF  }
0x3e: {  	s30 =	simm.s32 $0x3;
	[sflag:s2] =	ssyncpa.u1 $0x1  }
0x3f: {  	s31 =	simm.s32 $0x1;
	[sflag:s30] =	ssyncpa.u1 $0x1  }
0x40: {  	[sflag:s31] =	ssyncpa.u1 $0x1  }
0x41: {  	p0 =	sne.s32 s1, $0x0;
	_ =	strace $0x90000047  }
0x42: {  	s0 =	sadd.s32 @!p0 $0x100000, s0;
	[bflag:$0x2] =	sbarrier.arrive $0xFFFF  }
0x43: {  	[sflag:s0] =	ssyncadd.tile.s32 @!p0 $0x1;
	_ =	shalt  }
.Lfunc_end2:
_tile_overlayer_lowered:
.L_overlay_start_2:
0x44: {  	(tag) =	ssettag $0x2  }
0x45: {  	s0 =	rddreg [dreg:$0x0];
	s2 =	stileid.u32  }
0x46: {  	s1 =	rddreg [dreg:$0x1];
	p0 =	sne.s32 s2, $0x0  }
0x47: {  	s3 =	rddreg [dreg:$0x2];
	[bflag:$0x3] =	sbarrier.arrive $0xFFFF;
	s2 =	simm.s32 @!p0 $0x1C01  }
0x48: {  	[timem:s3], [sflag:s2] =	dma.local @!p0 [hbm:s0], s1  }
0x49: {  	s0 =	simm.s32 @!p0 $0x1  }
0x4a: {  	_ =	swait.ge @!p0 [sflag:s0], s1  }
0x4b: {  	s1 =	ssub.s32 @!p0 $0x0, s1;
	[sflag:s0] =	ssyncset.done @!p0 $0x0  }
0x4c: {  	[sflag:s0] =	ssyncadd.s32 @!p0 s1  }
0x4d: {  	[bflag:$0x3] =	sbarrier.arrive $0xFFFF  }
0x4e: {  	_ =	shalt  }

// kernel: gather_offload_async_start
scs
__scs_entry_jumppad:
0x0: {  	(pc) =	sbr.rel $0x88, $3  }
0x1: {  	(tag) =	ssettag $0x0;
	lr =	simm.s32 $0x1  }
0x2: {  	[smem:$0x3F99] =	sst lr;
	_ =	strace $0xD0000000  }
0x3: {  	_ = 	snop  }
0x4: {  	_ = 	snop  }
0x5: {  	_ = 	snop  }
0x6: {  	_ = 	snop  }
0x7: {  	_ = 	snop  }
__scs_overlays_trampoline_lowered:
0x8: {  	[smem:$0x3FA8] =	sst s0  }
0x9: {  	[smem:$0x3FA9] =	sst s1  }
0xa: {  	[smem:$0x3FAA] =	sst s2  }
0xb: {  	[smem:$0x3FAB] =	sst s3  }
0xc: {  	[smem:$0x3FAC] =	sst s4  }
0xd: {  	[smem:$0x3FAD] =	sst s5  }
0xe: {  	[smem:$0x3FAE] =	sst s6  }
0xf: {  	[smem:$0x3FAF] =	sst s7  }
0x10: {  	[smem:$0x3FB0] =	sst s8  }
0x11: {  	[smem:$0x3FB1] =	sst s9;
	s0 =	simm.s32 @!p0 $0x0  }
0x12: {  	s1 =	sld [smem:$0x3F97];
	s0 =	simm.s32 @p0 $0x1  }
0x13: {  	[smem:$0x3FB2] =	sst s0;
	s0 =	simm.s32 @!p1 $0x0  }
0x14: {  	s2 =	sld [smem:$0x3F96];
	s0 =	simm.s32 @p1 $0x1  }
0x15: {  	[smem:$0x3FB3] =	sst s0;
	s0 =	simm.s32 @!p2 $0x0  }
0x16: {  	s3 =	sld [smem:$0x3FDB];
	s0 =	simm.s32 @p2 $0x1  }
0x17: {  	s4 =	simm.s32 $0x1BF5;
	[smem:$0x3FB5] =	sst s0  }
0x18: {  	s0 =	sld [smem:$0x3F98];
	_ =	swait.ge [sflag:s4], $0x0  }
0x19: {  	s7 =	sld [smem:$0x3F99]  }
0x1a: {  	s8 =	sadd.s32 $0xFFFFE003, lr  }
0x1b: {  	s9 =	sadd.s32 $0xFFFFFEF7, lr;
	s5 =	simm.s32 $0xFFFFFFFF;
	p2 =	slt.u32 s8, $0xFFFFF086  }
0x1c: {  	p1 =	slt.u32 s9, $0xF7A;
	s5 =	simm.s32 @!p2 $0x0  }
0x1d: {  	s5 =	simm.s32 @p1 $0x1;
	p0 =	seq.s32 s7, s2  }
0x1e: {  	s7 =	smul.u32 @!p0 $0xF7A, s2;
	p2 =	seq.s32 @!p0 s5, $0x0  }
0x1f: {  	s9 =	smul.u32 $0xF7A, s1;
	s8 =	simm.s32 @!p0 $0x1BF5;
	p2 =	por !p2, p0  }
0x20: {  	[sflag:s8] =	ssyncset.s32 @!p0 $0xFFFFF086;
	s6 =	sadd.s32 @!p0 s3, s7;
	s7 =	simm.s32 @!p0 $0x108  }
0x21: {  	s3 =	sadd.s32 s3, s9;
	s6 =	sadd.s32 @!p0 $0x88, s6;
	s7 =	simm.s32 @p2 $0x1082  }
0x22: {  	[simem:s7], [sflag:s8] =	dma.local @!p0 [hbm:s6], $0xF7A  }
0x23: {  	s9 =	sor.u32 $0xD0000000, s2;
	s6 =	simm.s32 $0x108;
	_ =	swait.ge @!p0 [sflag:s8], $0x0  }
0x24: {  	s3 =	sadd.s32 $0x88, s3;
	s6 =	simm.s32 @!p1 $0x1082;
	[sflag:s4] =	ssyncset.s32 $0xFFFFF086  }
0x25: {  	[simem:s6], [sflag:s4] =	dma.local [hbm:s3], $0xF7A  }
0x26: {  	[smem:$0x3F99] =	sst s1;
	(tag) =	ssettag s2;
	_ =	strace s9  }
0x27: {  	s1 =	sld [smem:$0x3FA9]  }
0x28: {  	s2 =	sld [smem:$0x3FAA]  }
0x29: {  	s4 =	sld [smem:$0x3FAC]  }
0x2a: {  	p0 =	seq.s32 s5, $0x0;
	s5 =	sld [smem:$0x3FAD]  }
0x2b: {  	s6 =	sld [smem:$0x3FAE]  }
0x2c: {  	s7 =	sld [smem:$0x3FAF]  }
0x2d: {  	s3 =	simm.s32 $0x108;
	s8 =	sld [smem:$0x3FB0]  }
0x2e: {  	s3 =	simm.s32 @!p0 $0x1082;
	s9 =	sld [smem:$0x3FB1]  }
0x2f: {  	lr =	sadd.s32 s0, s3;
	s0 =	sld [smem:$0x3FA8]  }
0x30: {  	s3 =	sld [smem:$0x3FAB]  }
0x31: {  	[smem:$0x3FB4] =	sst s10  }
0x32: {  	s10 =	sld [smem:$0x3FB2];
	_ =	sdelay $0x3  }
0x33: {  	p0 =	seq.s32 s10, $0x1;
	s10 =	sld [smem:$0x3FB4];
	_ =	sdelay $0x3  }
0x34: {  	[smem:$0x3FB4] =	sst s10  }
0x35: {  	s10 =	sld [smem:$0x3FB3];
	_ =	sdelay $0x3  }
0x36: {  	p1 =	seq.s32 s10, $0x1;
	s10 =	sld [smem:$0x3FB4];
	_ =	sdelay $0x3  }
0x37: {  	[smem:$0x3FB4] =	sst s10  }
0x38: {  	s10 =	sld [smem:$0x3FB5]  }
0x39: {  	_ = 	snop;
	(pc) =	sbr.ind lr, $3  }
0x3a: {  	_ = 	snop  }
0x3b: {  	_ = 	snop  }
0x3c: {  	p2 =	seq.s32 s10, $0x1;
	s10 =	sld [smem:$0x3FB4]  }
0x3d: {  	_ =	shalt  }
0x3e: {  	_ =	shalt  }
0x3f: {  	_ =	shalt  }
0x40: {  	_ =	shalt  }
0x41: {  	_ =	shalt  }
0x42: {  	_ =	shalt  }
0x43: {  	_ =	shalt  }
0x44: {  	_ =	shalt  }
0x45: {  	_ =	shalt  }
0x46: {  	_ =	shalt  }
0x47: {  	_ =	shalt  }
0x48: {  	_ =	shalt  }
0x49: {  	_ =	shalt  }
0x4a: {  	_ =	shalt  }
0x4b: {  	_ =	shalt  }
0x4c: {  	_ =	shalt  }
0x4d: {  	_ =	shalt  }
0x4e: {  	_ =	shalt  }
0x4f: {  	_ =	shalt  }
0x50: {  	_ =	shalt  }
0x51: {  	_ =	shalt  }
0x52: {  	_ =	shalt  }
0x53: {  	_ =	shalt  }
0x54: {  	_ =	shalt  }
0x55: {  	_ =	shalt  }
0x56: {  	_ =	shalt  }
0x57: {  	_ =	shalt  }
0x58: {  	_ =	shalt  }
0x59: {  	_ =	shalt  }
0x5a: {  	_ =	shalt  }
0x5b: {  	_ =	shalt  }
0x5c: {  	_ =	shalt  }
0x5d: {  	_ =	shalt  }
0x5e: {  	_ =	shalt  }
0x5f: {  	_ =	shalt  }
0x60: {  	_ =	shalt  }
0x61: {  	_ =	shalt  }
0x62: {  	_ =	shalt  }
0x63: {  	_ =	shalt  }
0x64: {  	_ =	shalt  }
0x65: {  	_ =	shalt  }
0x66: {  	_ =	shalt  }
0x67: {  	_ =	shalt  }
0x68: {  	_ =	shalt  }
0x69: {  	_ =	shalt  }
0x6a: {  	_ =	shalt  }
0x6b: {  	_ =	shalt  }
0x6c: {  	_ =	shalt  }
0x6d: {  	_ =	shalt  }
0x6e: {  	_ =	shalt  }
0x6f: {  	_ =	shalt  }
0x70: {  	_ =	shalt  }
0x71: {  	_ =	shalt  }
0x72: {  	_ =	shalt  }
0x73: {  	_ =	shalt  }
0x74: {  	_ =	shalt  }
0x75: {  	_ =	shalt  }
0x76: {  	_ =	shalt  }
0x77: {  	_ =	shalt  }
0x78: {  	_ =	shalt  }
0x79: {  	_ =	shalt  }
0x7a: {  	_ =	shalt  }
0x7b: {  	_ =	shalt  }
0x7c: {  	_ =	shalt  }
0x7d: {  	_ =	shalt  }
0x7e: {  	_ =	shalt  }
0x7f: {  	_ =	shalt  }
0x80: {  	_ =	shalt  }
0x81: {  	_ =	shalt  }
0x82: {  	_ =	shalt  }
0x83: {  	_ =	shalt  }
0x84: {  	_ =	shalt  }
0x85: {  	_ =	shalt  }
0x86: {  	_ =	shalt  }
0x87: {  	_ =	shalt  }
.Lfunc_end0:
.L_simem_size_0:
called_computation_lowered:
.L_overlay_start_0:
0x88: {  	s0 =	sld [smem:$0x3FD9]  }
0x89: {  	s1 =	sld [smem:$0x3FFE];
	_ =	sdelay $0x3  }
0x8a: {  	s0 =	sadd.s32 s1, s0  }
0x8b: {  	[smem:$0x3FC0] =	sst s0  }
0x8c: {  	_ = 	snop  }
0x8d: {  	s0 =	sld [smem:$0x3FD0];
	(tm) =	ssettm $0x1  }
0x8e: {  	s16 =	sld [smem:$0x3FFB];
	_ =	sdelay $0x3  }
0x8f: {  	_ =	strace s16  }
0x90: {  	s1 =	sld [smem:$0x3FFC];
	_ =	sdelay $0x3  }
0x91: {  	_ =	strace s1  }
0x92: {  	s1 =	sld [smem:$0x3FFD];
	_ =	sdelay $0x3  }
0x93: {  	_ =	strace s1  }
0x94: {  	_ =	strace $0x8FFFFFFF  }
0x95: {  	s17 =	sld [smem:$0x3FDB];
	_ =	sdelay $0x1  }
0x96: {  	s2 =	simm.s32 $_scs_section_size  }
0x97: {  	s3 =	simm.s32 $_size__tile_overlayer_lowered;
	s4 =	simm.s32 $_tile_overlayer_lowered  }
0x98: {  	s20 =	simm.s32 $0x1BFF;
	s19 =	sshll.u32 s4, $0x1;
	s1 =	sadd.s32 s2, s17  }
0x99: {  	s5 =	simm.s32 $0x0;
	s18 =	sshll.u32 s3, $0x1;
	s3 =	sadd.s32 s19, s1  }
0x9a: {  	[timem:s5], [sflag:s20] =	dma.local [hbm:s3], s18  }
0x9b: {  	_ =	swait.ge [sflag:s20], s18  }
0x9c: {  	s2 =	ssub.s32 $0x0, s18;
	[sflag:s20] =	ssyncset.done $0x0  }
0x9d: {  	[sflag:s20] =	ssyncadd.s32 s2;
	_ =	sdelay $0x1  }
0x9e: {  	s21 =	simm.s32 $0x1B8B  }
0x9f: {  	_ =	swait.ge [sflag:s21], $0x1  }
0xa0: {  	[sflag:s21] =	ssyncset.done $0x0  }
0xa1: {  	s23 =	simm.s32 $0x1B8E;
	s22 =	sld [smem:$0x3FFE];
	[sflag:s21] =	ssyncadd.s32 $0xFFFFFFFF  }
0xa2: {  	s24 =	simm.s32 $execute0_lowered;
	[smem:$0x3FD2] =	sst s23  }
0xa3: {  	s3 =	sshll.u32 s24, $0x1;
	_ =	strace $0x80000049;
	[dreg:$0x1] =	wrdreg $0xFFFFFFFF  }
0xa4: {  	s25 =	simm.s32 $_size_execute0_lowered;
	s1 =	sadd.s32 s1, s3;
	[dreg:$0x0] =	wrdreg $0x0  }
0xa5: {  	s3 =	sshll.u32 s25, $0x1;
	[dreg:$0x2] =	wrdreg s1  }
0xa6: {  	[dreg:$0x3] =	wrdreg s3  }
0xa7: {  	[dreg:$0x4] =	wrdreg $0xC0  }
0xa8: {  	_ =	task [dreg:s5], $0x5FFFF  }
0xa9: {  	[dreg:$0x1] =	wrdreg $0xFFFFFFFF  }
0xaa: {  	[dreg:$0x0] =	wrdreg $0x60  }
0xab: {  	[dreg:$0x2] =	wrdreg s22  }
0xac: {  	[dreg:$0x3] =	wrdreg s0  }
0xad: {  	[dreg:$0x4] =	wrdreg $0x9  }
0xae: {  	_ =	task.clear_ibuf [dreg:s5], $0x5FFFF;
	_ =	strace $0x90000049  }
0xaf: {  	s26 =	simm.s32 $0x9;
	_ =	strace $0x8000004B  }
0xb0: {  	_ =	swait.ge [sflag:s26], $0x1  }
0xb1: {  	[sflag:s26] =	ssyncadd.s32 $0xFFFFFFFF  }
0xb2: {  	_ =	strace $0x9000004B  }
0xb3: {  	_ =	sfence  }
0xb4: {  	s28 =	sld [smem:$0x0];
	_ =	sdelay $0x1  }
0xb5: {  	s29 =	srdreg.scid  }
0xb6: {  	s30 =	sshll.u32 s29, $0xD;
	s31 =	sshrl.u32 s29, $0x2  }
0xb7: {  	s2 =	sand.u32 $0x4000, s30;
	s1 =	sand.u32 $0x1, s29;
	s0 =	sadd.s32 s31, s28  }
0xb8: {  	s1 =	sor.u32 s2, s1;
	s0 =	sshll.u32 s0, $0x11  }
0xb9: {  	s0 =	sor.u32 s0, s1  }
0xba: {  	s0 =	sadd.s32 $0x8F2B, s0  }
0xbb: {  	[sflag:s0] =	ssyncadd.remote.s32 $0x1  }
0xbc: {  	_ =	sfence.sel $0xFFFF  }
0xbd: {  	[dreg:$0x0] =	wrdreg $0xFFFFFFFF;
	(pc) =	sbr.abs _section_cstart, $3  }
0xbe: {  	[dreg:$0x1] =	wrdreg $0xFFFFFFFF  }
0xbf: {  	_ =	task.clear_ibuf [dreg:s5], $0x2FFFF;
	_ =	strace $0x9FFFFFFF  }
0xc0: {  	(tm) =	ssettm $0x7FFFFFFF  }
0xc1: {  	_ =	shalt  }
tec
execute0_lowered:
.L_overlay_start_1:
0x0: {  	(tag) =	ssettag $0x1  }
0x1: {  	s0 =	stileid.u32  }
0x2: {  	s1 =	smin.u32 s0, $0x9  }
0x3: {  	s1 =	sadd.s32 s0, s1  }
0x4: {  	s2 =	simm.s32 $0x320;
	p0 =	slt.u32 s0, $0x9;
	s1 =	smul.u32 $0x190, s1  }
0x5: {  	s2 =	simm.s32 @!p0 $0x190  }
0x6: {  	s2 =	sadd.s32 s2, s1  }
0x7: {  	s3 =	smin.u32 s2, $0x2710  }
0x8: {  	s7 =	ssub.s32 s3, s1  }
0x9: {  	p0 =	sgt.s32 s7, $0x0  }
0xa: {  	s7 =	simm.s32 @!p0 $0x0  }
0xb: {  	s31 =	sand.u32 $0xFFF0, s7  }
0xc: {  	s2 =	sshrl.u32 s31, $0x4  }
0xd: {  	s4 =	rddreg [dreg:$0x0];
	s2 =	smul.u32 $0xA3E, s2  }
0xe: {  	s5 =	rddreg [dreg:$0x1]  }
0xf: {  	s6 =	simm.s32 $0x1;
	s10 =	simm.s32 $0x3;
	s8 =	sshrl.u32 s2, $0x10  }
0x10: {  	s13 =	simm.s32 $0x0;
	s12 =	simm.s32 $0x0;
	s9 =	smul.u32 $0x190, s8  }
.Ltmp0:
0x11: {  	s11 =	smov.u32 s1;
	s2 =	rddreg [dreg:$0x2];
	(pc) =	sbr.rel .LBB2_1-.Ltmp0, $4  }
0x12: {  	_ =	strace $0x8000004A;
	p0 =	sne.s32 s7, s9;
	s9 =	simm.s32 $0x1  }
0x13: {  	[sflag:s6] =	ssyncpa.u1 $0x0;
	s7 =	simm.s32 $0x2;
	s9 =	simm.s32 @!p0 $0x0  }
0x14: {  	[sflag:s7] =	ssyncpa.u1 $0x0;
	p0 =	por $0x0, $0x0;
	s8 =	sadd.s32 s8, s9  }
0x15: {  	vm0 =	vmmov $0xff;
	vm1 =	vcmask $0x3F20;
	s9 =	sadd.s32 $0x27800, s4;
	[sflag:s10] =	ssyncpa.u1 $0x0;
	s10 =	sadd.s32 $0x1, s8  }
.LBB2_6:
0x16: {  	[hbm:s17] =	stream.linear.scatter [tilespmem:s14], [sflag:$0x3], $0x400, $0x38;
	[tilespmem:$0x19320] =	vst v63  }
.LBB2_7:
0x17: {  	s13 =	sadd.s32 $0x190, s11  }
0x18: {  	s15 =	smov.u32 s1;
	p2 =	slt.s32 s13, s3  }
0x19: {  	s15 =	smov.u32 @p2 s13;
	p2 =	sne.s32 s12, s10  }
.Ltmp1:
0x1a: {  	p1 =	slt.u32 s12, $0x2;
	(pc) =	sbr.rel @!p2 .LBB2_8-.Ltmp1, $4  }
0x1b: {  	s14 =	simm.s32 @!p1 $0x3  }
0x1c: {  	s16 =	sadd.s32 $0x1, s12;
	_ =	swait.ge @!p1 [sflag:s14], $0xC800  }
0x1d: {  	p0 =	por !p0, !p0;
	s13 =	smov.u32 s11;
	[sflag:s14] =	ssyncset.done @!p1 $0x0  }
0x1e: {  	s12 =	smov.u32 s16;
	s11 =	smov.u32 s15;
	[sflag:s14] =	ssyncadd.s32 @!p1 $0xFFFF3800  }
.LBB2_1:
0x1f: {  	p1 =	sge.u32 s12, s8  }
0x20: {  	s14 =	sxor.u32 @!p1 $0xFFFFFFFF, s12  }
0x21: {  	s14 =	sand.u32 @!p1 $0x1, s14  }
0x22: {  	s14 =	smul.u32 @!p1 $0x640, s14  }
0x23: {  	s31 =	sadd.s32 $0xFFFFFFFF, s12;
	s15 =	sshrl.u32 @!p1 s11, $0x3  }
0x24: {  	s16 =	sand.u32 @!p1 $0x7, s11;
	s15 =	sadd.s32 @!p1 s5, s15;
	s14 =	sshrl.u32 @!p1 s14, $0x2  }
0x25: {  	[tilespmem:s14], [sflag:$0x2] =	stream.linear.gather @!p1 [hbm4b:s15+s16], $0x190, $0x38;
	[tilespmem:$0x19320] =	vst v63  }
0x26: {  	p1 =	sge.u32 s31, s8  }
.Ltmp2:
0x27: {  	_ = 	snop;
	(pc) =	sbr.rel @p1 .LBB2_7-.Ltmp2, $1  }
0x28: {  	_ =	sdelay $0x3  }
0x29: {  	s14 =	simm.s32 $0x1  }
0x2a: {  	s14 =	simm.s32 @!p0 $0x0  }
0x2b: {  	s15 =	smul.u32 $0x640, s14  }
0x2c: {  	_ =	swait.ge [sflag:s7], $0x190  }
0x2d: {  	[sflag:s7] =	ssyncset.done $0x0;
	s16 =	sshrl.u32 s15, $0x2  }
0x2e: {  	[sflag:s7] =	ssyncadd.s32 $0xFFFFFE70;
	s15 =	sadd.s32 $0x0, s16  }
0x2f: {  	v0 =	vld.msk [tilespmem:s15+$0x0 ss:$0x1], $0xffff;
	_ =	sdelay $0x4  }
0x30: {  	vm2 =	vgt.s32 v0, $0x0  }
0x31: {  	v0 =	vnsel vm2, $0x0, v0  }
0x32: {  	v0 =	vmin.u32 v0, $0x270F  }
0x33: {  	v0 =	vshll.u32 v0, $0x4  }
0x34: {  	s14 =	smul.u32 $0x32000, s14;
	_ =	sdelay $0x1  }
0x35: {  	s14 =	sshrl.u32 s14, $0x2  }
0x36: {  	s14 =	sor.u32 $0x320, s14  }
0x37: {  	[tilespmem:s14], [sflag:$0x1] =	stream.indirect_vreg.gather [hbm:s4], $0x80, v0, vm0, $0x38;
	[tilespmem:$0x19320] =	vst v63  }
0x38: {  	s17 =	sadd.s32 $0x10, s16;
	s15 =	sadd.s32 $0x400, s14  }
0x39: {  	[tilespmem:s15], [sflag:$0x1] =	stream.indirect_vreg.gather [hbm:s4], $0x80, v0, vm1, $0x38;
	[tilespmem:$0x19320] =	vst v63  }
0x3a: {  	s18 =	simm.s32 $0x80;
	v0 =	vld.msk [tilespmem:s17+$0x0 ss:$0x1], $0xffff;
	s17 =	smov.u32 s14  }
.LBB2_3:
0x3b: {  	p1 =	sne.s32 s18, $0x600;
	_ =	sdelay $0x4  }
0x3c: {  	vm2 =	vgt.s32 v0, $0x0  }
0x3d: {  	v0 =	vnsel vm2, $0x0, v0  }
0x3e: {  	v0 =	vmin.u32 v0, $0x270F  }
0x3f: {  	v0 =	vshll.u32 v0, $0x4;
	_ =	sdelay $0x3  }
.Ltmp3:
0x40: {  	s19 =	sshra.s32 s18, $0x2;
	s17 =	sadd.s32 $0x800, s17;
	(pc) =	sbr.rel @p1 .LBB2_3-.Ltmp3, $4  }
0x41: {  	[tilespmem:s17], [sflag:$0x1] =	stream.indirect_vreg.gather [hbm:s4], $0x80, v0, vm0, $0x38;
	[tilespmem:$0x19320] =	vst v63  }
0x42: {  	s19 =	sadd.s32 s19, s16;
	s20 =	sadd.s32 $0x400, s17  }
0x43: {  	[tilespmem:s20], [sflag:$0x1] =	stream.indirect_vreg.gather [hbm:s4], $0x80, v0, vm1, $0x38;
	[tilespmem:$0x19320] =	vst v63  }
0x44: {  	s18 =	sadd.s32 $0x40, s18;
	v0 =	vld.msk [tilespmem:s19+$0x0 ss:$0x1], $0xffff  }
0x45: {  	_ =	sdelay $0x3  }
0x46: {  	vm2 =	vgt.s32 v0, $0x0  }
0x47: {  	v0 =	vnsel vm2, $0x0, v0  }
0x48: {  	v0 =	vmin.u32 v0, $0x270F  }
0x49: {  	v0 =	vshll.u32 v0, $0x4;
	_ =	sdelay $0x3  }
0x4a: {  	s16 =	sadd.s32 $0x800, s17  }
0x4b: {  	[tilespmem:s16], [sflag:$0x1] =	stream.indirect_vreg.gather [hbm:s4], $0x80, v0, vm0, $0x38;
	[tilespmem:$0x19320] =	vst v63  }
0x4c: {  	s16 =	sadd.s32 $0x400, s16  }
0x4d: {  	[tilespmem:s16], [sflag:$0x1] =	stream.indirect_vreg.gather [hbm:s4], $0x80, v0, vm1, $0x38;
	[tilespmem:$0x19320] =	vst v63  }
0x4e: {  	s13 =	sshll.u32 s13, $0x4;
	_ =	swait.ge [sflag:s6], $0xC800  }
0x4f: {  	s13 =	sadd.s32 s13, s9;
	[sflag:s6] =	ssyncset.done $0x0  }
0x50: {  	s17 =	sadd.s32 $0x0, s13;
	s16 =	simm.s32 $0x80;
	[sflag:s6] =	ssyncadd.s32 $0xFFFF3800  }
.LBB2_5:
0x51: {  	[hbm:s17] =	stream.linear.scatter [tilespmem:s14], [sflag:$0x3], $0x400, $0x38;
	[tilespmem:$0x19320] =	vst v63  }
0x52: {  	s17 =	smov.u32 s16;
	s14 =	smov.u32 s15;
	p1 =	sne.s32 s16, $0x1880  }
.Ltmp4:
0x53: {  	s16 =	sadd.s32 $0x80, s16;
	(pc) =	sbr.rel @p1 .LBB2_5-.Ltmp4, $2  }
0x54: {  	_ =	sdelay $0x2  }
0x55: {  	s15 =	sadd.s32 $0x400, s15;
	s17 =	sadd.s32 s17, s13  }
.Ltmp5:
0x56: {  	_ = 	snop;
	(pc) =	sbr.rel .LBB2_6-.Ltmp5, $1  }
0x57: {  	_ =	sdelay $0x3  }
.LBB2_8:
0x58: {  	_ =	sfence.sel $0x180000  }
0x59: {  	s1 =	simm.s32 $0x2;
	[bflag:$0x0] =	sbarrier.arrive $0xFFFF  }
0x5a: {  	s30 =	simm.s32 $0x3;
	[sflag:s1] =	ssyncpa.u1 $0x1  }
0x5b: {  	s31 =	simm.s32 $0x1;
	[sflag:s30] =	ssyncpa.u1 $0x1  }
0x5c: {  	[sflag:s31] =	ssyncpa.u1 $0x1  }
0x5d: {  	p0 =	sne.s32 s0, $0x0;
	_ =	strace $0x9000004A  }
0x5e: {  	s0 =	sadd.s32 @!p0 $0x100000, s2;
	[bflag:$0x2] =	sbarrier.arrive $0xFFFF  }
0x5f: {  	[sflag:s0] =	ssyncadd.tile.s32 @!p0 $0x1;
	_ =	shalt  }
.Lfunc_end2:
_tile_overlayer_lowered:
.L_overlay_start_2:
0x60: {  	(tag) =	ssettag $0x2  }
0x61: {  	s0 =	rddreg [dreg:$0x0];
	s2 =	stileid.u32  }
0x62: {  	s1 =	rddreg [dreg:$0x1];
	p0 =	sne.s32 s2, $0x0  }
0x63: {  	s3 =	rddreg [dreg:$0x2];
	[bflag:$0x3] =	sbarrier.arrive $0xFFFF;
	s2 =	simm.s32 @!p0 $0x1C01  }
0x64: {  	[timem:s3], [sflag:s2] =	dma.local @!p0 [hbm:s0], s1  }
0x65: {  	s0 =	simm.s32 @!p0 $0x1  }
0x66: {  	_ =	swait.ge @!p0 [sflag:s0], s1  }
0x67: {  	s1 =	ssub.s32 @!p0 $0x0, s1;
	[sflag:s0] =	ssyncset.done @!p0 $0x0  }
0x68: {  	[sflag:s0] =	ssyncadd.s32 @!p0 s1  }
0x69: {  	[bflag:$0x3] =	sbarrier.arrive $0xFFFF  }
0x6a: {  	_ =	shalt  }

</sc_bundles>
